<compile_context>
chip_gen: v7x
topology: tpu7x:2x2x1
jax: 0.10.2.dev20260603
libtpu: 0.0.44.dev20260713+nightly
codegen_flags: <defaults>
</compile_context>

<pallas_src>
import functools

import jax
import jax.numpy as jnp
from jax import lax
from jax.experimental import pallas as pl
from jax.experimental.pallas import tpu as pltpu
from jax.experimental.pallas import tpu_sc as plsc

N = 10000
E = 320000
D = 128
L = 3
G = 64
BN_EPS = 1e-5

NC = 2
NS = 16
NT = NC * NS
EPT = E // NT
CH = 80
NCH = EPT // CH
EPT_PAD = CH * NCH
ACC_ROWS = N


def _sc_edge_agg_body(h_hbm, src_hbm, dst_hbm, zero_hbm, out_hbm,
                      src_v, dst_v, rows0, acc_sh, sem0):
    c = lax.axis_index("c")
    s = lax.axis_index("s")
    wid = c * NS + s
    rps = 624
    off = pl.multiple_of(s * rps, 8)
    pltpu.sync_copy(zero_hbm.at[pl.ds(off, rps)], acc_sh.at[pl.ds(off, rps)])

    @pl.when(s == 0)
    def _zero_tail():
        pltpu.sync_copy(zero_hbm.at[pl.ds(NS * rps, N - NS * rps)],
                        acc_sh.at[pl.ds(NS * rps, N - NS * rps)])

    plsc.subcore_barrier()

    pltpu.sync_copy(src_hbm.at[wid], src_v)
    pltpu.sync_copy(dst_hbm.at[wid], dst_v)

    def body(j, carry):
        pltpu.async_copy(h_hbm.at[src_v.at[j]], rows0, sem0).wait()
        pltpu.sync_copy(rows0, acc_sh.at[dst_v.at[j]], add=True)
        return carry

    lax.fori_loop(0, NCH, body, 0)
    plsc.subcore_barrier()
    pltpu.sync_copy(acc_sh.at[pl.ds(off, rps)],
                    out_hbm.at[c, pl.ds(off, rps)])

    @pl.when(s == 0)
    def _out_tail():
        pltpu.sync_copy(acc_sh.at[pl.ds(NS * rps, N - NS * rps)],
                        out_hbm.at[c, pl.ds(NS * rps, N - NS * rps)])


@functools.cache
def _sc_edge_agg():
    mesh = plsc.VectorSubcoreMesh(core_axis_name="c", subcore_axis_name="s",
                                  num_cores=NC, num_subcores=NS)
    return pl.kernel(
        _sc_edge_agg_body,
        mesh=mesh,
        out_type=jax.ShapeDtypeStruct((NC, N, D), jnp.float32),
        scratch_types=[
            pltpu.VMEM((NCH, CH), jnp.int32),
            pltpu.VMEM((NCH, CH), jnp.int32),
            pltpu.VMEM((CH, D), jnp.float32),
            pltpu.VMEM_SHARED((ACC_ROWS, D), jnp.float32),
            pltpu.SemaphoreType.DMA,
        ],
    )


def _mlp_body(h_ref, p0_ref, p1_ref, w1_ref, b1_ref, gamma_ref, beta_ref,
              w2_ref, b2_ref, out_ref):
    h = h_ref[...]
    u = h + p0_ref[...] + p1_ref[...]
    t = lax.dot_general(u, w1_ref[...], (((1,), (1,)), ((), ())),
                        preferred_element_type=jnp.float32,
                        precision=lax.Precision.HIGHEST)
    t = t + b1_ref[...]
    mean = jnp.mean(t, axis=0, keepdims=True)
    var = jnp.mean((t - mean) * (t - mean), axis=0, keepdims=True)
    t = (t - mean) * lax.rsqrt(var + BN_EPS) * gamma_ref[...] + beta_ref[...]
    t = jnp.maximum(t, 0.0)
    t = lax.dot_general(t, w2_ref[...], (((1,), (1,)), ((), ())),
                        preferred_element_type=jnp.float32,
                        precision=lax.Precision.HIGHEST)
    t = jnp.maximum(t + b2_ref[...], 0.0)
    out_ref[...] = t + h


def _mlp_pool_body(h_ref, p0_ref, p1_ref, w1_ref, b1_ref, gamma_ref,
                   beta_ref, w2_ref, b2_ref, batch_ref, out_ref, pool_ref):
    _mlp_body(h_ref, p0_ref, p1_ref, w1_ref, b1_ref, gamma_ref, beta_ref,
              w2_ref, b2_ref, out_ref)
    hn = out_ref[...]
    seg = lax.broadcasted_iota(jnp.int32, (N, G), 1)
    onehot = (batch_ref[...] == seg).astype(jnp.float32)
    pool_ref[...] = lax.dot_general(
        onehot, hn, (((0,), (0,)), ((), ())),
        preferred_element_type=jnp.float32,
        precision=lax.Precision.HIGHEST)


def _mlp_call(h, p0, p1, w1, b1, gamma, beta, w2, b2):
    return pl.pallas_call(
        _mlp_body,
        out_shape=jax.ShapeDtypeStruct((N, D), jnp.float32),
    )(h, p0, p1, w1, b1, gamma, beta, w2, b2)


def _mlp_pool_call(h, p0, p1, w1, b1, gamma, beta, w2, b2, batch2):
    return pl.pallas_call(
        _mlp_pool_body,
        out_shape=(jax.ShapeDtypeStruct((N, D), jnp.float32),
                   jax.ShapeDtypeStruct((G, D), jnp.float32)),
    )(h, p0, p1, w1, b1, gamma, beta, w2, b2, batch2)


def kernel(x, edge_index, batch, W1, b1, gamma, beta, W2, b2):
    src3 = edge_index[0].reshape(NT, NCH, CH)
    dst3 = edge_index[1].reshape(NT, NCH, CH)
    zero = jnp.zeros((N, D), jnp.float32)
    batch2 = batch.reshape(N, 1)
    h = x
    pooled = None
    for i in range(L):
        parts = _sc_edge_agg()(h, src3, dst3, zero)
        w1 = W1[i]
        b1i = b1[i].reshape(1, D)
        g = gamma[i].reshape(1, D)
        bt = beta[i].reshape(1, D)
        w2 = W2[i]
        b2i = b2[i].reshape(1, D)
        if i < L - 1:
            h = _mlp_call(h, parts[0], parts[1], w1, b1i, g, bt, w2, b2i)
        else:
            h, pooled = _mlp_pool_call(h, parts[0], parts[1], w1, b1i, g, bt,
                                       w2, b2i, batch2)
    return (h, pooled)

# --- scband reference (transcript-rebuilt; emitter-appended) ---
"""Pipeline reference for scband-model-64141041598515 (READ-ONLY COPY).

The authoritative reference and input builder live on the scoring server;
editing this copy changes nothing except your own understanding.
"""

import jax, jax.numpy as jnp
import numpy as np

N = 10000
E = 320000
D = 128
L = 3
G = 64
BN_EPS = 1e-5


def setup_inputs(seed: int = 0) -> dict:
    key = jax.random.key(seed)
    ks = jax.random.split(key, 10)
    x = jax.random.normal(ks[0], (N, D), dtype=jnp.float32)
    edge_index = jax.random.randint(ks[1], (2, E), 0, N, dtype=jnp.int32)
    batch = jnp.sort(jax.random.randint(ks[2], (N,), 0, G, dtype=jnp.int32))
    # Stacked per-layer MLP params for the 3 GIN layers:
    # Linear(D->D) -> BatchNorm1d(D) -> ReLU -> Linear(D->D) -> ReLU
    W1 = jax.random.normal(ks[3], (L, D, D), dtype=jnp.float32) * 0.05
    b1 = jax.random.normal(ks[4], (L, D), dtype=jnp.float32) * 0.05
    gamma = jnp.ones((L, D), dtype=jnp.float32)
    beta = jnp.zeros((L, D), dtype=jnp.float32)
    W2 = jax.random.normal(ks[5], (L, D, D), dtype=jnp.float32) * 0.05
    b2 = jax.random.normal(ks[6], (L, D), dtype=jnp.float32) * 0.05
    return {"x": x, "edge_index": edge_index, "batch": batch,
            "W1": W1, "b1": b1, "gamma": gamma, "beta": beta,
            "W2": W2, "b2": b2}


def reference(x, edge_index, batch, W1, b1, gamma, beta, W2, b2):
    src = edge_index[0]
    dst = edge_index[1]
    h = x
    x_res = x  # input_dim == hidden_dim, so input_proj is None
    for i in range(L):
        # GINConv, eps=0: MLP((1+eps)*x + sum_{j in N(i)} x_j)
        agg = jax.ops.segment_sum(h[src], dst, num_segments=N)
        t = h + agg
        # Linear 1
        t = t @ W1[i].T + b1[i]
        # BatchNorm1d (training-mode batch statistics)
        mean = jnp.mean(t, axis=0)
        var = jnp.var(t, axis=0)
        t = (t - mean) / jnp.sqrt(var + BN_EPS) * gamma[i] + beta[i]
        t = jax.nn.relu(t)
        # Linear 2
        t = t @ W2[i].T + b2[i]
        t = jax.nn.relu(t)
        # residual
        h = t + x_res
        x_res = h
    pooled = jax.ops.segment_sum(h, batch, num_segments=G)
    return (h, pooled)

if __name__ == "__main__":
    import jax
    _d = setup_inputs()
    print(jax.jit(kernel)(*tuple(_d.values())))

</pallas_src>

<mosaic_0001>
#map = affine_map<(d0, d1) -> (0, 0)>
#map1 = affine_map<(d0, d1) -> (0, 0, 0)>
module attributes {stable_mosaic.version = 14 : i64} {
  func.func @_sc_edge_agg_body(%arg0: i32, %arg1: i32, %arg2: memref<10000x128xf32, #tpu.memory_space<hbm>>, %arg3: memref<32x125x80xi32, #tpu.memory_space<hbm>>, %arg4: memref<32x125x80xi32, #tpu.memory_space<hbm>>, %arg5: memref<10000x128xf32, #tpu.memory_space<hbm>>, %arg6: memref<2x10000x128xf32, #tpu.memory_space<hbm>>, %arg7: memref<125x80xi32, #tpu.memory_space<vmem>>, %arg8: memref<125x80xi32, #tpu.memory_space<vmem>>, %arg9: memref<80x128xf32, #tpu.memory_space<vmem>>, %arg10: memref<10000x128xf32, #tpu.memory_space<vmem_shared>>, %arg11: memref<!tpu.dma_semaphore, #tpu.memory_space<semaphore_mem>>) attributes {dimension_semantics = [#tpu.dimension_semantics<core_parallel>, #tpu.dimension_semantics<subcore_parallel>], iteration_bounds = array<i64: 2, 16>, scalar_prefetch = 0 : i64, scratch_operands = 5 : i64, tpu.core_type = #tpu.core_type<sc_vector_subcore>, window_params = [{transform_indices = #map}, {transform_indices = #map1}, {transform_indices = #map1}, {transform_indices = #map}, {transform_indices = #map1}]} {
    %mul3A = arith.constant 16 : i32
    %mul3A_0 = arith.muli %arg0, %mul3A : i32
    %add3A = arith.addi %mul3A_0, %arg1 : i32
    %mul3A_1 = arith.constant 624 : i32
    %mul3A_2 = arith.muli %arg1, %mul3A_1 : i32
    %multiple_of3A = tpu.assume_multiple %mul3A_2, 8 : i32
    "tpu.region"() ({
      %run_scoped3A = tpu.sem_alloc : memref<!tpu.dma_semaphore, #tpu.memory_space<semaphore_mem>>
      %dma_start3A = arith.constant 0 : i32
      %dma_start3A_16 = tpu.memref_slice %arg10[%multiple_of3A, %dma_start3A] : memref<10000x128xf32, #tpu.memory_space<vmem_shared>> -> memref<624x128xf32, #tpu.memory_space<vmem_shared>>
      %dma_start3A_17 = arith.constant 0 : i32
      %dma_start3A_18 = tpu.memref_slice %arg5[%multiple_of3A, %dma_start3A_17] : memref<10000x128xf32, #tpu.memory_space<hbm>> -> memref<624x128xf32, #tpu.memory_space<hbm>>
      tpu.enqueue_dma source(%dma_start3A_18 : memref<624x128xf32, #tpu.memory_space<hbm>>) target(%dma_start3A_16 : memref<624x128xf32, #tpu.memory_space<vmem_shared>>) target_semaphore(%run_scoped3A : memref<!tpu.dma_semaphore, #tpu.memory_space<semaphore_mem>>)
      %dma_wait3A = arith.constant 0 : i32
      %dma_wait3A_19 = tpu.memref_slice %arg10[%multiple_of3A, %dma_wait3A] : memref<10000x128xf32, #tpu.memory_space<vmem_shared>> -> memref<624x128xf32, #tpu.memory_space<vmem_shared>>
      %dma_wait3A_20 = arith.constant 0 : i32
      %dma_wait3A_21 = tpu.memref_slice %arg5[%multiple_of3A, %dma_wait3A_20] : memref<10000x128xf32, #tpu.memory_space<hbm>> -> memref<624x128xf32, #tpu.memory_space<hbm>>
      tpu.wait_dma2 semaphore(%run_scoped3A : memref<!tpu.dma_semaphore, #tpu.memory_space<semaphore_mem>>) src(%dma_wait3A_21 : memref<624x128xf32, #tpu.memory_space<hbm>>) dst(%dma_wait3A_19 : memref<624x128xf32, #tpu.memory_space<vmem_shared>>)
      tpu.yield
    }) : () -> ()
    %eq3A = arith.constant 0 : i32
    %eq3A_3 = arith.cmpi eq, %arg1, %eq3A : i32
    %convert_element_type3A = arith.extui %eq3A_3 : i1 to i32
    %cond3A = arith.constant 0 : i32
    %cond3A_4 = arith.cmpi ne, %convert_element_type3A, %cond3A : i32
    scf.if %cond3A_4 {
      "tpu.region"() ({
        %run_scoped3A = tpu.sem_alloc : memref<!tpu.dma_semaphore, #tpu.memory_space<semaphore_mem>>
        %dma_start3A = arith.constant 9984 : i32
        %dma_start3A_16 = arith.constant 0 : i32
        %dma_start3A_17 = tpu.memref_slice %arg10[%dma_start3A, %dma_start3A_16] : memref<10000x128xf32, #tpu.memory_space<vmem_shared>> -> memref<16x128xf32, #tpu.memory_space<vmem_shared>>
        %dma_start3A_18 = arith.constant 9984 : i32
        %dma_start3A_19 = arith.constant 0 : i32
        %dma_start3A_20 = tpu.memref_slice %arg5[%dma_start3A_18, %dma_start3A_19] : memref<10000x128xf32, #tpu.memory_space<hbm>> -> memref<16x128xf32, #tpu.memory_space<hbm>>
        tpu.enqueue_dma source(%dma_start3A_20 : memref<16x128xf32, #tpu.memory_space<hbm>>) target(%dma_start3A_17 : memref<16x128xf32, #tpu.memory_space<vmem_shared>>) target_semaphore(%run_scoped3A : memref<!tpu.dma_semaphore, #tpu.memory_space<semaphore_mem>>)
        %dma_wait3A = arith.constant 9984 : i32
        %dma_wait3A_21 = arith.constant 0 : i32
        %dma_wait3A_22 = tpu.memref_slice %arg10[%dma_wait3A, %dma_wait3A_21] : memref<10000x128xf32, #tpu.memory_space<vmem_shared>> -> memref<16x128xf32, #tpu.memory_space<vmem_shared>>
        %dma_wait3A_23 = arith.constant 9984 : i32
        %dma_wait3A_24 = arith.constant 0 : i32
        %dma_wait3A_25 = tpu.memref_slice %arg5[%dma_wait3A_23, %dma_wait3A_24] : memref<10000x128xf32, #tpu.memory_space<hbm>> -> memref<16x128xf32, #tpu.memory_space<hbm>>
        tpu.wait_dma2 semaphore(%run_scoped3A : memref<!tpu.dma_semaphore, #tpu.memory_space<semaphore_mem>>) src(%dma_wait3A_25 : memref<16x128xf32, #tpu.memory_space<hbm>>) dst(%dma_wait3A_22 : memref<16x128xf32, #tpu.memory_space<vmem_shared>>)
        tpu.yield
      }) : () -> ()
    } else {
    }
    %barrier3A = arith.constant 0 : index
    tpu.barrier barrier_id(%barrier3A)
    "tpu.region"() ({
      %run_scoped3A = tpu.sem_alloc : memref<!tpu.dma_semaphore, #tpu.memory_space<semaphore_mem>>
      %dma_start3A = arith.constant 0 : i32
      %dma_start3A_16 = arith.constant 0 : i32
      %dma_start3A_17 = tpu.memref_slice %arg3[%add3A, %dma_start3A, %dma_start3A_16] : memref<32x125x80xi32, #tpu.memory_space<hbm>> -> memref<1x125x80xi32, #tpu.memory_space<hbm>>
      %dma_start3A_18 = tpu.memref_squeeze %dma_start3A_17 : memref<1x125x80xi32, #tpu.memory_space<hbm>> -> memref<125x80xi32, #tpu.memory_space<hbm>>
      %dma_start3A_19 = arith.constant 0 : i32
      %dma_start3A_20 = arith.constant 0 : i32
      %dma_start3A_21 = tpu.memref_slice %arg3[%add3A, %dma_start3A_19, %dma_start3A_20] : memref<32x125x80xi32, #tpu.memory_space<hbm>> -> memref<1x125x80xi32, #tpu.memory_space<hbm>>
      %dma_start3A_22 = tpu.memref_squeeze %dma_start3A_21 : memref<1x125x80xi32, #tpu.memory_space<hbm>> -> memref<125x80xi32, #tpu.memory_space<hbm>>
      tpu.enqueue_dma source(%dma_start3A_22 : memref<125x80xi32, #tpu.memory_space<hbm>>) target(%arg7 : memref<125x80xi32, #tpu.memory_space<vmem>>) target_semaphore(%run_scoped3A : memref<!tpu.dma_semaphore, #tpu.memory_space<semaphore_mem>>)
      %dma_wait3A = arith.constant 0 : i32
      %dma_wait3A_23 = arith.constant 0 : i32
      %dma_wait3A_24 = tpu.memref_slice %arg3[%add3A, %dma_wait3A, %dma_wait3A_23] : memref<32x125x80xi32, #tpu.memory_space<hbm>> -> memref<1x125x80xi32, #tpu.memory_space<hbm>>
      %dma_wait3A_25 = tpu.memref_squeeze %dma_wait3A_24 : memref<1x125x80xi32, #tpu.memory_space<hbm>> -> memref<125x80xi32, #tpu.memory_space<hbm>>
      %dma_wait3A_26 = arith.constant 0 : i32
      %dma_wait3A_27 = arith.constant 0 : i32
      %dma_wait3A_28 = tpu.memref_slice %arg3[%add3A, %dma_wait3A_26, %dma_wait3A_27] : memref<32x125x80xi32, #tpu.memory_space<hbm>> -> memref<1x125x80xi32, #tpu.memory_space<hbm>>
      %dma_wait3A_29 = tpu.memref_squeeze %dma_wait3A_28 : memref<1x125x80xi32, #tpu.memory_space<hbm>> -> memref<125x80xi32, #tpu.memory_space<hbm>>
      tpu.wait_dma2 semaphore(%run_scoped3A : memref<!tpu.dma_semaphore, #tpu.memory_space<semaphore_mem>>) src(%dma_wait3A_29 : memref<125x80xi32, #tpu.memory_space<hbm>>) dst(%arg7 : memref<125x80xi32, #tpu.memory_space<vmem>>)
      tpu.yield
    }) : () -> ()
    "tpu.region"() ({
      %run_scoped3A = tpu.sem_alloc : memref<!tpu.dma_semaphore, #tpu.memory_space<semaphore_mem>>
      %dma_start3A = arith.constant 0 : i32
      %dma_start3A_16 = arith.constant 0 : i32
      %dma_start3A_17 = tpu.memref_slice %arg4[%add3A, %dma_start3A, %dma_start3A_16] : memref<32x125x80xi32, #tpu.memory_space<hbm>> -> memref<1x125x80xi32, #tpu.memory_space<hbm>>
      %dma_start3A_18 = tpu.memref_squeeze %dma_start3A_17 : memref<1x125x80xi32, #tpu.memory_space<hbm>> -> memref<125x80xi32, #tpu.memory_space<hbm>>
      %dma_start3A_19 = arith.constant 0 : i32
      %dma_start3A_20 = arith.constant 0 : i32
      %dma_start3A_21 = tpu.memref_slice %arg4[%add3A, %dma_start3A_19, %dma_start3A_20] : memref<32x125x80xi32, #tpu.memory_space<hbm>> -> memref<1x125x80xi32, #tpu.memory_space<hbm>>
      %dma_start3A_22 = tpu.memref_squeeze %dma_start3A_21 : memref<1x125x80xi32, #tpu.memory_space<hbm>> -> memref<125x80xi32, #tpu.memory_space<hbm>>
      tpu.enqueue_dma source(%dma_start3A_22 : memref<125x80xi32, #tpu.memory_space<hbm>>) target(%arg8 : memref<125x80xi32, #tpu.memory_space<vmem>>) target_semaphore(%run_scoped3A : memref<!tpu.dma_semaphore, #tpu.memory_space<semaphore_mem>>)
      %dma_wait3A = arith.constant 0 : i32
      %dma_wait3A_23 = arith.constant 0 : i32
      %dma_wait3A_24 = tpu.memref_slice %arg4[%add3A, %dma_wait3A, %dma_wait3A_23] : memref<32x125x80xi32, #tpu.memory_space<hbm>> -> memref<1x125x80xi32, #tpu.memory_space<hbm>>
      %dma_wait3A_25 = tpu.memref_squeeze %dma_wait3A_24 : memref<1x125x80xi32, #tpu.memory_space<hbm>> -> memref<125x80xi32, #tpu.memory_space<hbm>>
      %dma_wait3A_26 = arith.constant 0 : i32
      %dma_wait3A_27 = arith.constant 0 : i32
      %dma_wait3A_28 = tpu.memref_slice %arg4[%add3A, %dma_wait3A_26, %dma_wait3A_27] : memref<32x125x80xi32, #tpu.memory_space<hbm>> -> memref<1x125x80xi32, #tpu.memory_space<hbm>>
      %dma_wait3A_29 = tpu.memref_squeeze %dma_wait3A_28 : memref<1x125x80xi32, #tpu.memory_space<hbm>> -> memref<125x80xi32, #tpu.memory_space<hbm>>
      tpu.wait_dma2 semaphore(%run_scoped3A : memref<!tpu.dma_semaphore, #tpu.memory_space<semaphore_mem>>) src(%dma_wait3A_29 : memref<125x80xi32, #tpu.memory_space<hbm>>) dst(%arg8 : memref<125x80xi32, #tpu.memory_space<vmem>>)
      tpu.yield
    }) : () -> ()
    %scan3A = arith.constant 0 : i32
    %scan3A_5 = arith.constant 0 : i32
    %scan3A_6 = arith.constant 125 : i32
    %scan3A_7 = arith.addi %scan3A_5, %scan3A_6 : i32
    %scan3A_8 = arith.constant 1 : i32
    scf.for %scan3A_16 = %scan3A_5 to %scan3A_7 step %scan3A_8  : i32 {
      %dma_start3A = arith.constant 0 : i32
      %dma_start3A_17 = tpu.memref_slice %arg7[%scan3A_16, %dma_start3A] : memref<125x80xi32, #tpu.memory_space<vmem>> -> memref<1x80xi32, #tpu.memory_space<vmem>>
      %dma_start3A_18 = tpu.memref_squeeze %dma_start3A_17 : memref<1x80xi32, #tpu.memory_space<vmem>> -> memref<80xi32, #tpu.memory_space<vmem>>
      %dma_start3A_19 = arith.constant 0 : i32
      %dma_start3A_20 = arith.constant 0 : i32
      %dma_start3A_21 = tpu.memref_slice %arg2[%dma_start3A_19, %dma_start3A_20] : memref<10000x128xf32, #tpu.memory_space<hbm>> -> memref<10000x128xf32, #tpu.memory_space<hbm>>
      tpu.enqueue_indirect_dma source(%dma_start3A_21 : memref<10000x128xf32, #tpu.memory_space<hbm>>) target(%arg9 : memref<80x128xf32, #tpu.memory_space<vmem>>) offsets(%dma_start3A_18 : memref<80xi32, #tpu.memory_space<vmem>>) semaphore(%arg11 : memref<!tpu.dma_semaphore, #tpu.memory_space<semaphore_mem>>)
      %dma_wait3A = arith.constant 0 : i32
      %dma_wait3A_22 = tpu.memref_slice %arg7[%scan3A_16, %dma_wait3A] : memref<125x80xi32, #tpu.memory_space<vmem>> -> memref<1x80xi32, #tpu.memory_space<vmem>>
      %dma_wait3A_23 = tpu.memref_squeeze %dma_wait3A_22 : memref<1x80xi32, #tpu.memory_space<vmem>> -> memref<80xi32, #tpu.memory_space<vmem>>
      %dma_wait3A_24 = arith.constant 0 : i32
      %dma_wait3A_25 = arith.constant 0 : i32
      %dma_wait3A_26 = tpu.memref_slice %arg2[%dma_wait3A_24, %dma_wait3A_25] : memref<10000x128xf32, #tpu.memory_space<hbm>> -> memref<10000x128xf32, #tpu.memory_space<hbm>>
      tpu.wait_indirect_dma semaphore(%arg11 : memref<!tpu.dma_semaphore, #tpu.memory_space<semaphore_mem>>) src(%dma_wait3A_26 : memref<10000x128xf32, #tpu.memory_space<hbm>>) dst(%arg9 : memref<80x128xf32, #tpu.memory_space<vmem>>)
      "tpu.region"() ({
        %run_scoped3A = tpu.sem_alloc : memref<!tpu.dma_semaphore, #tpu.memory_space<semaphore_mem>>
        %dma_start3A_27 = arith.constant 0 : i32
        %dma_start3A_28 = tpu.memref_slice %arg8[%scan3A_16, %dma_start3A_27] : memref<125x80xi32, #tpu.memory_space<vmem>> -> memref<1x80xi32, #tpu.memory_space<vmem>>
        %dma_start3A_29 = tpu.memref_squeeze %dma_start3A_28 : memref<1x80xi32, #tpu.memory_space<vmem>> -> memref<80xi32, #tpu.memory_space<vmem>>
        %dma_start3A_30 = arith.constant 0 : i32
        %dma_start3A_31 = arith.constant 0 : i32
        %dma_start3A_32 = tpu.memref_slice %arg10[%dma_start3A_30, %dma_start3A_31] : memref<10000x128xf32, #tpu.memory_space<vmem_shared>> -> memref<10000x128xf32, #tpu.memory_space<vmem_shared>>
        tpu.enqueue_indirect_dma source(%arg9 : memref<80x128xf32, #tpu.memory_space<vmem>>) target(%dma_start3A_32 : memref<10000x128xf32, #tpu.memory_space<vmem_shared>>) offsets(%dma_start3A_29 : memref<80xi32, #tpu.memory_space<vmem>>) semaphore(%run_scoped3A : memref<!tpu.dma_semaphore, #tpu.memory_space<semaphore_mem>>) {add = true}
        %dma_wait3A_33 = arith.constant 0 : i32
        %dma_wait3A_34 = tpu.memref_slice %arg8[%scan3A_16, %dma_wait3A_33] : memref<125x80xi32, #tpu.memory_space<vmem>> -> memref<1x80xi32, #tpu.memory_space<vmem>>
        %dma_wait3A_35 = tpu.memref_squeeze %dma_wait3A_34 : memref<1x80xi32, #tpu.memory_space<vmem>> -> memref<80xi32, #tpu.memory_space<vmem>>
        %dma_wait3A_36 = arith.constant 0 : i32
        %dma_wait3A_37 = arith.constant 0 : i32
        %dma_wait3A_38 = tpu.memref_slice %arg10[%dma_wait3A_36, %dma_wait3A_37] : memref<10000x128xf32, #tpu.memory_space<vmem_shared>> -> memref<10000x128xf32, #tpu.memory_space<vmem_shared>>
        tpu.wait_indirect_dma semaphore(%run_scoped3A : memref<!tpu.dma_semaphore, #tpu.memory_space<semaphore_mem>>) src(%arg9 : memref<80x128xf32, #tpu.memory_space<vmem>>) dst(%dma_wait3A_38 : memref<10000x128xf32, #tpu.memory_space<vmem_shared>>)
        tpu.yield
      }) : () -> ()
    }
    %scan3A_9 = arith.constant 125 : i32
    %barrier3A_10 = arith.constant 0 : index
    tpu.barrier barrier_id(%barrier3A_10)
    "tpu.region"() ({
      %run_scoped3A = tpu.sem_alloc : memref<!tpu.dma_semaphore, #tpu.memory_space<semaphore_mem>>
      %dma_start3A = arith.constant 0 : i32
      %dma_start3A_16 = tpu.memref_slice %arg6[%arg0, %multiple_of3A, %dma_start3A] : memref<2x10000x128xf32, #tpu.memory_space<hbm>> -> memref<1x624x128xf32, #tpu.memory_space<hbm>>
      %dma_start3A_17 = tpu.memref_squeeze %dma_start3A_16 : memref<1x624x128xf32, #tpu.memory_space<hbm>> -> memref<624x128xf32, #tpu.memory_space<hbm>>
      %dma_start3A_18 = arith.constant 0 : i32
      %dma_start3A_19 = tpu.memref_slice %arg10[%multiple_of3A, %dma_start3A_18] : memref<10000x128xf32, #tpu.memory_space<vmem_shared>> -> memref<624x128xf32, #tpu.memory_space<vmem_shared>>
      tpu.enqueue_dma source(%dma_start3A_19 : memref<624x128xf32, #tpu.memory_space<vmem_shared>>) target(%dma_start3A_17 : memref<624x128xf32, #tpu.memory_space<hbm>>) target_semaphore(%run_scoped3A : memref<!tpu.dma_semaphore, #tpu.memory_space<semaphore_mem>>)
      %dma_wait3A = arith.constant 0 : i32
      %dma_wait3A_20 = tpu.memref_slice %arg6[%arg0, %multiple_of3A, %dma_wait3A] : memref<2x10000x128xf32, #tpu.memory_space<hbm>> -> memref<1x624x128xf32, #tpu.memory_space<hbm>>
      %dma_wait3A_21 = tpu.memref_squeeze %dma_wait3A_20 : memref<1x624x128xf32, #tpu.memory_space<hbm>> -> memref<624x128xf32, #tpu.memory_space<hbm>>
      %dma_wait3A_22 = arith.constant 0 : i32
      %dma_wait3A_23 = tpu.memref_slice %arg10[%multiple_of3A, %dma_wait3A_22] : memref<10000x128xf32, #tpu.memory_space<vmem_shared>> -> memref<624x128xf32, #tpu.memory_space<vmem_shared>>
      tpu.wait_dma2 semaphore(%run_scoped3A : memref<!tpu.dma_semaphore, #tpu.memory_space<semaphore_mem>>) src(%dma_wait3A_23 : memref<624x128xf32, #tpu.memory_space<vmem_shared>>) dst(%dma_wait3A_21 : memref<624x128xf32, #tpu.memory_space<hbm>>)
      tpu.yield
    }) : () -> ()
    %eq3A_11 = arith.constant 0 : i32
    %eq3A_12 = arith.cmpi eq, %arg1, %eq3A_11 : i32
    %convert_element_type3A_13 = arith.extui %eq3A_12 : i1 to i32
    %cond3A_14 = arith.constant 0 : i32
    %cond3A_15 = arith.cmpi ne, %convert_element_type3A_13, %cond3A_14 : i32
    scf.if %cond3A_15 {
      "tpu.region"() ({
        %run_scoped3A = tpu.sem_alloc : memref<!tpu.dma_semaphore, #tpu.memory_space<semaphore_mem>>
        %dma_start3A = arith.constant 9984 : i32
        %dma_start3A_16 = arith.constant 0 : i32
        %dma_start3A_17 = tpu.memref_slice %arg6[%arg0, %dma_start3A, %dma_start3A_16] : memref<2x10000x128xf32, #tpu.memory_space<hbm>> -> memref<1x16x128xf32, #tpu.memory_space<hbm>>
        %dma_start3A_18 = tpu.memref_squeeze %dma_start3A_17 : memref<1x16x128xf32, #tpu.memory_space<hbm>> -> memref<16x128xf32, #tpu.memory_space<hbm>>
        %dma_start3A_19 = arith.constant 9984 : i32
        %dma_start3A_20 = arith.constant 0 : i32
        %dma_start3A_21 = tpu.memref_slice %arg10[%dma_start3A_19, %dma_start3A_20] : memref<10000x128xf32, #tpu.memory_space<vmem_shared>> -> memref<16x128xf32, #tpu.memory_space<vmem_shared>>
        tpu.enqueue_dma source(%dma_start3A_21 : memref<16x128xf32, #tpu.memory_space<vmem_shared>>) target(%dma_start3A_18 : memref<16x128xf32, #tpu.memory_space<hbm>>) target_semaphore(%run_scoped3A : memref<!tpu.dma_semaphore, #tpu.memory_space<semaphore_mem>>)
        %dma_wait3A = arith.constant 9984 : i32
        %dma_wait3A_22 = arith.constant 0 : i32
        %dma_wait3A_23 = tpu.memref_slice %arg6[%arg0, %dma_wait3A, %dma_wait3A_22] : memref<2x10000x128xf32, #tpu.memory_space<hbm>> -> memref<1x16x128xf32, #tpu.memory_space<hbm>>
        %dma_wait3A_24 = tpu.memref_squeeze %dma_wait3A_23 : memref<1x16x128xf32, #tpu.memory_space<hbm>> -> memref<16x128xf32, #tpu.memory_space<hbm>>
        %dma_wait3A_25 = arith.constant 9984 : i32
        %dma_wait3A_26 = arith.constant 0 : i32
        %dma_wait3A_27 = tpu.memref_slice %arg10[%dma_wait3A_25, %dma_wait3A_26] : memref<10000x128xf32, #tpu.memory_space<vmem_shared>> -> memref<16x128xf32, #tpu.memory_space<vmem_shared>>
        tpu.wait_dma2 semaphore(%run_scoped3A : memref<!tpu.dma_semaphore, #tpu.memory_space<semaphore_mem>>) src(%dma_wait3A_27 : memref<16x128xf32, #tpu.memory_space<vmem_shared>>) dst(%dma_wait3A_24 : memref<16x128xf32, #tpu.memory_space<hbm>>)
        tpu.yield
      }) : () -> ()
    } else {
    }
    return
  }
}

#map = affine_map<(d0, d1) -> (0, 0)>
#map1 = affine_map<(d0, d1) -> (0, 0, 0)>
module attributes {stable_mosaic.version = 14 : i64} {
  func.func @_sc_edge_agg_body(%arg0: i32, %arg1: i32, %arg2: memref<10000x128xf32, #tpu.memory_space<hbm>>, %arg3: memref<32x125x80xi32, #tpu.memory_space<hbm>>, %arg4: memref<32x125x80xi32, #tpu.memory_space<hbm>>, %arg5: memref<10000x128xf32, #tpu.memory_space<hbm>>, %arg6: memref<2x10000x128xf32, #tpu.memory_space<hbm>>, %arg7: memref<125x80xi32, #tpu.memory_space<vmem>>, %arg8: memref<125x80xi32, #tpu.memory_space<vmem>>, %arg9: memref<80x128xf32, #tpu.memory_space<vmem>>, %arg10: memref<10000x128xf32, #tpu.memory_space<vmem_shared>>, %arg11: memref<!tpu.dma_semaphore, #tpu.memory_space<semaphore_mem>>) attributes {dimension_semantics = [#tpu.dimension_semantics<core_parallel>, #tpu.dimension_semantics<subcore_parallel>], iteration_bounds = array<i64: 2, 16>, scalar_prefetch = 0 : i64, scratch_operands = 5 : i64, tpu.core_type = #tpu.core_type<sc_vector_subcore>, window_params = [{transform_indices = #map}, {transform_indices = #map1}, {transform_indices = #map1}, {transform_indices = #map}, {transform_indices = #map1}]} {
    %mul3A = arith.constant 16 : i32
    %mul3A_0 = arith.muli %arg0, %mul3A : i32
    %add3A = arith.addi %mul3A_0, %arg1 : i32
    %mul3A_1 = arith.constant 624 : i32
    %mul3A_2 = arith.muli %arg1, %mul3A_1 : i32
    %multiple_of3A = tpu.assume_multiple %mul3A_2, 8 : i32
    "tpu.region"() ({
      %run_scoped3A = tpu.sem_alloc : memref<!tpu.dma_semaphore, #tpu.memory_space<semaphore_mem>>
      %dma_start3A = arith.constant 0 : i32
      %dma_start3A_16 = tpu.memref_slice %arg10[%multiple_of3A, %dma_start3A] : memref<10000x128xf32, #tpu.memory_space<vmem_shared>> -> memref<624x128xf32, #tpu.memory_space<vmem_shared>>
      %dma_start3A_17 = arith.constant 0 : i32
      %dma_start3A_18 = tpu.memref_slice %arg5[%multiple_of3A, %dma_start3A_17] : memref<10000x128xf32, #tpu.memory_space<hbm>> -> memref<624x128xf32, #tpu.memory_space<hbm>>
      tpu.enqueue_dma source(%dma_start3A_18 : memref<624x128xf32, #tpu.memory_space<hbm>>) target(%dma_start3A_16 : memref<624x128xf32, #tpu.memory_space<vmem_shared>>) target_semaphore(%run_scoped3A : memref<!tpu.dma_semaphore, #tpu.memory_space<semaphore_mem>>)
      %dma_wait3A = arith.constant 0 : i32
      %dma_wait3A_19 = tpu.memref_slice %arg10[%multiple_of3A, %dma_wait3A] : memref<10000x128xf32, #tpu.memory_space<vmem_shared>> -> memref<624x128xf32, #tpu.memory_space<vmem_shared>>
      %dma_wait3A_20 = arith.constant 0 : i32
      %dma_wait3A_21 = tpu.memref_slice %arg5[%multiple_of3A, %dma_wait3A_20] : memref<10000x128xf32, #tpu.memory_space<hbm>> -> memref<624x128xf32, #tpu.memory_space<hbm>>
      tpu.wait_dma2 semaphore(%run_scoped3A : memref<!tpu.dma_semaphore, #tpu.memory_space<semaphore_mem>>) src(%dma_wait3A_21 : memref<624x128xf32, #tpu.memory_space<hbm>>) dst(%dma_wait3A_19 : memref<624x128xf32, #tpu.memory_space<vmem_shared>>)
      tpu.yield
    }) : () -> ()
    %eq3A = arith.constant 0 : i32
    %eq3A_3 = arith.cmpi eq, %arg1, %eq3A : i32
    %convert_element_type3A = arith.extui %eq3A_3 : i1 to i32
    %cond3A = arith.constant 0 : i32
    %cond3A_4 = arith.cmpi ne, %convert_element_type3A, %cond3A : i32
    scf.if %cond3A_4 {
      "tpu.region"() ({
        %run_scoped3A = tpu.sem_alloc : memref<!tpu.dma_semaphore, #tpu.memory_space<semaphore_mem>>
        %dma_start3A = arith.constant 9984 : i32
        %dma_start3A_16 = arith.constant 0 : i32
        %dma_start3A_17 = tpu.memref_slice %arg10[%dma_start3A, %dma_start3A_16] : memref<10000x128xf32, #tpu.memory_space<vmem_shared>> -> memref<16x128xf32, #tpu.memory_space<vmem_shared>>
        %dma_start3A_18 = arith.constant 9984 : i32
        %dma_start3A_19 = arith.constant 0 : i32
        %dma_start3A_20 = tpu.memref_slice %arg5[%dma_start3A_18, %dma_start3A_19] : memref<10000x128xf32, #tpu.memory_space<hbm>> -> memref<16x128xf32, #tpu.memory_space<hbm>>
        tpu.enqueue_dma source(%dma_start3A_20 : memref<16x128xf32, #tpu.memory_space<hbm>>) target(%dma_start3A_17 : memref<16x128xf32, #tpu.memory_space<vmem_shared>>) target_semaphore(%run_scoped3A : memref<!tpu.dma_semaphore, #tpu.memory_space<semaphore_mem>>)
        %dma_wait3A = arith.constant 9984 : i32
        %dma_wait3A_21 = arith.constant 0 : i32
        %dma_wait3A_22 = tpu.memref_slice %arg10[%dma_wait3A, %dma_wait3A_21] : memref<10000x128xf32, #tpu.memory_space<vmem_shared>> -> memref<16x128xf32, #tpu.memory_space<vmem_shared>>
        %dma_wait3A_23 = arith.constant 9984 : i32
        %dma_wait3A_24 = arith.constant 0 : i32
        %dma_wait3A_25 = tpu.memref_slice %arg5[%dma_wait3A_23, %dma_wait3A_24] : memref<10000x128xf32, #tpu.memory_space<hbm>> -> memref<16x128xf32, #tpu.memory_space<hbm>>
        tpu.wait_dma2 semaphore(%run_scoped3A : memref<!tpu.dma_semaphore, #tpu.memory_space<semaphore_mem>>) src(%dma_wait3A_25 : memref<16x128xf32, #tpu.memory_space<hbm>>) dst(%dma_wait3A_22 : memref<16x128xf32, #tpu.memory_space<vmem_shared>>)
        tpu.yield
      }) : () -> ()
    } else {
    }
    %barrier3A = arith.constant 0 : index
    tpu.barrier barrier_id(%barrier3A)
    "tpu.region"() ({
      %run_scoped3A = tpu.sem_alloc : memref<!tpu.dma_semaphore, #tpu.memory_space<semaphore_mem>>
      %dma_start3A = arith.constant 0 : i32
      %dma_start3A_16 = arith.constant 0 : i32
      %dma_start3A_17 = tpu.memref_slice %arg3[%add3A, %dma_start3A, %dma_start3A_16] : memref<32x125x80xi32, #tpu.memory_space<hbm>> -> memref<1x125x80xi32, #tpu.memory_space<hbm>>
      %dma_start3A_18 = tpu.memref_squeeze %dma_start3A_17 : memref<1x125x80xi32, #tpu.memory_space<hbm>> -> memref<125x80xi32, #tpu.memory_space<hbm>>
      %dma_start3A_19 = arith.constant 0 : i32
      %dma_start3A_20 = arith.constant 0 : i32
      %dma_start3A_21 = tpu.memref_slice %arg3[%add3A, %dma_start3A_19, %dma_start3A_20] : memref<32x125x80xi32, #tpu.memory_space<hbm>> -> memref<1x125x80xi32, #tpu.memory_space<hbm>>
      %dma_start3A_22 = tpu.memref_squeeze %dma_start3A_21 : memref<1x125x80xi32, #tpu.memory_space<hbm>> -> memref<125x80xi32, #tpu.memory_space<hbm>>
      tpu.enqueue_dma source(%dma_start3A_22 : memref<125x80xi32, #tpu.memory_space<hbm>>) target(%arg7 : memref<125x80xi32, #tpu.memory_space<vmem>>) target_semaphore(%run_scoped3A : memref<!tpu.dma_semaphore, #tpu.memory_space<semaphore_mem>>)
      %dma_wait3A = arith.constant 0 : i32
      %dma_wait3A_23 = arith.constant 0 : i32
      %dma_wait3A_24 = tpu.memref_slice %arg3[%add3A, %dma_wait3A, %dma_wait3A_23] : memref<32x125x80xi32, #tpu.memory_space<hbm>> -> memref<1x125x80xi32, #tpu.memory_space<hbm>>
      %dma_wait3A_25 = tpu.memref_squeeze %dma_wait3A_24 : memref<1x125x80xi32, #tpu.memory_space<hbm>> -> memref<125x80xi32, #tpu.memory_space<hbm>>
      %dma_wait3A_26 = arith.constant 0 : i32
      %dma_wait3A_27 = arith.constant 0 : i32
      %dma_wait3A_28 = tpu.memref_slice %arg3[%add3A, %dma_wait3A_26, %dma_wait3A_27] : memref<32x125x80xi32, #tpu.memory_space<hbm>> -> memref<1x125x80xi32, #tpu.memory_space<hbm>>
      %dma_wait3A_29 = tpu.memref_squeeze %dma_wait3A_28 : memref<1x125x80xi32, #tpu.memory_space<hbm>> -> memref<125x80xi32, #tpu.memory_space<hbm>>
      tpu.wait_dma2 semaphore(%run_scoped3A : memref<!tpu.dma_semaphore, #tpu.memory_space<semaphore_mem>>) src(%dma_wait3A_29 : memref<125x80xi32, #tpu.memory_space<hbm>>) dst(%arg7 : memref<125x80xi32, #tpu.memory_space<vmem>>)
      tpu.yield
    }) : () -> ()
    "tpu.region"() ({
      %run_scoped3A = tpu.sem_alloc : memref<!tpu.dma_semaphore, #tpu.memory_space<semaphore_mem>>
      %dma_start3A = arith.constant 0 : i32
      %dma_start3A_16 = arith.constant 0 : i32
      %dma_start3A_17 = tpu.memref_slice %arg4[%add3A, %dma_start3A, %dma_start3A_16] : memref<32x125x80xi32, #tpu.memory_space<hbm>> -> memref<1x125x80xi32, #tpu.memory_space<hbm>>
      %dma_start3A_18 = tpu.memref_squeeze %dma_start3A_17 : memref<1x125x80xi32, #tpu.memory_space<hbm>> -> memref<125x80xi32, #tpu.memory_space<hbm>>
      %dma_start3A_19 = arith.constant 0 : i32
      %dma_start3A_20 = arith.constant 0 : i32
      %dma_start3A_21 = tpu.memref_slice %arg4[%add3A, %dma_start3A_19, %dma_start3A_20] : memref<32x125x80xi32, #tpu.memory_space<hbm>> -> memref<1x125x80xi32, #tpu.memory_space<hbm>>
      %dma_start3A_22 = tpu.memref_squeeze %dma_start3A_21 : memref<1x125x80xi32, #tpu.memory_space<hbm>> -> memref<125x80xi32, #tpu.memory_space<hbm>>
      tpu.enqueue_dma source(%dma_start3A_22 : memref<125x80xi32, #tpu.memory_space<hbm>>) target(%arg8 : memref<125x80xi32, #tpu.memory_space<vmem>>) target_semaphore(%run_scoped3A : memref<!tpu.dma_semaphore, #tpu.memory_space<semaphore_mem>>)
      %dma_wait3A = arith.constant 0 : i32
      %dma_wait3A_23 = arith.constant 0 : i32
      %dma_wait3A_24 = tpu.memref_slice %arg4[%add3A, %dma_wait3A, %dma_wait3A_23] : memref<32x125x80xi32, #tpu.memory_space<hbm>> -> memref<1x125x80xi32, #tpu.memory_space<hbm>>
      %dma_wait3A_25 = tpu.memref_squeeze %dma_wait3A_24 : memref<1x125x80xi32, #tpu.memory_space<hbm>> -> memref<125x80xi32, #tpu.memory_space<hbm>>
      %dma_wait3A_26 = arith.constant 0 : i32
      %dma_wait3A_27 = arith.constant 0 : i32
      %dma_wait3A_28 = tpu.memref_slice %arg4[%add3A, %dma_wait3A_26, %dma_wait3A_27] : memref<32x125x80xi32, #tpu.memory_space<hbm>> -> memref<1x125x80xi32, #tpu.memory_space<hbm>>
      %dma_wait3A_29 = tpu.memref_squeeze %dma_wait3A_28 : memref<1x125x80xi32, #tpu.memory_space<hbm>> -> memref<125x80xi32, #tpu.memory_space<hbm>>
      tpu.wait_dma2 semaphore(%run_scoped3A : memref<!tpu.dma_semaphore, #tpu.memory_space<semaphore_mem>>) src(%dma_wait3A_29 : memref<125x80xi32, #tpu.memory_space<hbm>>) dst(%arg8 : memref<125x80xi32, #tpu.memory_space<vmem>>)
      tpu.yield
    }) : () -> ()
    %scan3A = arith.constant 0 : i32
    %scan3A_5 = arith.constant 0 : i32
    %scan3A_6 = arith.constant 125 : i32
    %scan3A_7 = arith.addi %scan3A_5, %scan3A_6 : i32
    %scan3A_8 = arith.constant 1 : i32
    scf.for %scan3A_16 = %scan3A_5 to %scan3A_7 step %scan3A_8  : i32 {
      %dma_start3A = arith.constant 0 : i32
      %dma_start3A_17 = tpu.memref_slice %arg7[%scan3A_16, %dma_start3A] : memref<125x80xi32, #tpu.memory_space<vmem>> -> memref<1x80xi32, #tpu.memory_space<vmem>>
      %dma_start3A_18 = tpu.memref_squeeze %dma_start3A_17 : memref<1x80xi32, #tpu.memory_space<vmem>> -> memref<80xi32, #tpu.memory_space<vmem>>
      %dma_start3A_19 = arith.constant 0 : i32
      %dma_start3A_20 = arith.constant 0 : i32
      %dma_start3A_21 = tpu.memref_slice %arg2[%dma_start3A_19, %dma_start3A_20] : memref<10000x128xf32, #tpu.memory_space<hbm>> -> memref<10000x128xf32, #tpu.memory_space<hbm>>
      tpu.enqueue_indirect_dma source(%dma_start3A_21 : memref<10000x128xf32, #tpu.memory_space<hbm>>) target(%arg9 : memref<80x128xf32, #tpu.memory_space<vmem>>) offsets(%dma_start3A_18 : memref<80xi32, #tpu.memory_space<vmem>>) semaphore(%arg11 : memref<!tpu.dma_semaphore, #tpu.memory_space<semaphore_mem>>)
      %dma_wait3A = arith.constant 0 : i32
      %dma_wait3A_22 = tpu.memref_slice %arg7[%scan3A_16, %dma_wait3A] : memref<125x80xi32, #tpu.memory_space<vmem>> -> memref<1x80xi32, #tpu.memory_space<vmem>>
      %dma_wait3A_23 = tpu.memref_squeeze %dma_wait3A_22 : memref<1x80xi32, #tpu.memory_space<vmem>> -> memref<80xi32, #tpu.memory_space<vmem>>
      %dma_wait3A_24 = arith.constant 0 : i32
      %dma_wait3A_25 = arith.constant 0 : i32
      %dma_wait3A_26 = tpu.memref_slice %arg2[%dma_wait3A_24, %dma_wait3A_25] : memref<10000x128xf32, #tpu.memory_space<hbm>> -> memref<10000x128xf32, #tpu.memory_space<hbm>>
      tpu.wait_indirect_dma semaphore(%arg11 : memref<!tpu.dma_semaphore, #tpu.memory_space<semaphore_mem>>) src(%dma_wait3A_26 : memref<10000x128xf32, #tpu.memory_space<hbm>>) dst(%arg9 : memref<80x128xf32, #tpu.memory_space<vmem>>)
      "tpu.region"() ({
        %run_scoped3A = tpu.sem_alloc : memref<!tpu.dma_semaphore, #tpu.memory_space<semaphore_mem>>
        %dma_start3A_27 = arith.constant 0 : i32
        %dma_start3A_28 = tpu.memref_slice %arg8[%scan3A_16, %dma_start3A_27] : memref<125x80xi32, #tpu.memory_space<vmem>> -> memref<1x80xi32, #tpu.memory_space<vmem>>
        %dma_start3A_29 = tpu.memref_squeeze %dma_start3A_28 : memref<1x80xi32, #tpu.memory_space<vmem>> -> memref<80xi32, #tpu.memory_space<vmem>>
        %dma_start3A_30 = arith.constant 0 : i32
        %dma_start3A_31 = arith.constant 0 : i32
        %dma_start3A_32 = tpu.memref_slice %arg10[%dma_start3A_30, %dma_start3A_31] : memref<10000x128xf32, #tpu.memory_space<vmem_shared>> -> memref<10000x128xf32, #tpu.memory_space<vmem_shared>>
        tpu.enqueue_indirect_dma source(%arg9 : memref<80x128xf32, #tpu.memory_space<vmem>>) target(%dma_start3A_32 : memref<10000x128xf32, #tpu.memory_space<vmem_shared>>) offsets(%dma_start3A_29 : memref<80xi32, #tpu.memory_space<vmem>>) semaphore(%run_scoped3A : memref<!tpu.dma_semaphore, #tpu.memory_space<semaphore_mem>>) {add = true}
        %dma_wait3A_33 = arith.constant 0 : i32
        %dma_wait3A_34 = tpu.memref_slice %arg8[%scan3A_16, %dma_wait3A_33] : memref<125x80xi32, #tpu.memory_space<vmem>> -> memref<1x80xi32, #tpu.memory_space<vmem>>
        %dma_wait3A_35 = tpu.memref_squeeze %dma_wait3A_34 : memref<1x80xi32, #tpu.memory_space<vmem>> -> memref<80xi32, #tpu.memory_space<vmem>>
        %dma_wait3A_36 = arith.constant 0 : i32
        %dma_wait3A_37 = arith.constant 0 : i32
        %dma_wait3A_38 = tpu.memref_slice %arg10[%dma_wait3A_36, %dma_wait3A_37] : memref<10000x128xf32, #tpu.memory_space<vmem_shared>> -> memref<10000x128xf32, #tpu.memory_space<vmem_shared>>
        tpu.wait_indirect_dma semaphore(%run_scoped3A : memref<!tpu.dma_semaphore, #tpu.memory_space<semaphore_mem>>) src(%arg9 : memref<80x128xf32, #tpu.memory_space<vmem>>) dst(%dma_wait3A_38 : memref<10000x128xf32, #tpu.memory_space<vmem_shared>>)
        tpu.yield
      }) : () -> ()
    }
    %scan3A_9 = arith.constant 125 : i32
    %barrier3A_10 = arith.constant 0 : index
    tpu.barrier barrier_id(%barrier3A_10)
    "tpu.region"() ({
      %run_scoped3A = tpu.sem_alloc : memref<!tpu.dma_semaphore, #tpu.memory_space<semaphore_mem>>
      %dma_start3A = arith.constant 0 : i32
      %dma_start3A_16 = tpu.memref_slice %arg6[%arg0, %multiple_of3A, %dma_start3A] : memref<2x10000x128xf32, #tpu.memory_space<hbm>> -> memref<1x624x128xf32, #tpu.memory_space<hbm>>
      %dma_start3A_17 = tpu.memref_squeeze %dma_start3A_16 : memref<1x624x128xf32, #tpu.memory_space<hbm>> -> memref<624x128xf32, #tpu.memory_space<hbm>>
      %dma_start3A_18 = arith.constant 0 : i32
      %dma_start3A_19 = tpu.memref_slice %arg10[%multiple_of3A, %dma_start3A_18] : memref<10000x128xf32, #tpu.memory_space<vmem_shared>> -> memref<624x128xf32, #tpu.memory_space<vmem_shared>>
      tpu.enqueue_dma source(%dma_start3A_19 : memref<624x128xf32, #tpu.memory_space<vmem_shared>>) target(%dma_start3A_17 : memref<624x128xf32, #tpu.memory_space<hbm>>) target_semaphore(%run_scoped3A : memref<!tpu.dma_semaphore, #tpu.memory_space<semaphore_mem>>)
      %dma_wait3A = arith.constant 0 : i32
      %dma_wait3A_20 = tpu.memref_slice %arg6[%arg0, %multiple_of3A, %dma_wait3A] : memref<2x10000x128xf32, #tpu.memory_space<hbm>> -> memref<1x624x128xf32, #tpu.memory_space<hbm>>
      %dma_wait3A_21 = tpu.memref_squeeze %dma_wait3A_20 : memref<1x624x128xf32, #tpu.memory_space<hbm>> -> memref<624x128xf32, #tpu.memory_space<hbm>>
      %dma_wait3A_22 = arith.constant 0 : i32
      %dma_wait3A_23 = tpu.memref_slice %arg10[%multiple_of3A, %dma_wait3A_22] : memref<10000x128xf32, #tpu.memory_space<vmem_shared>> -> memref<624x128xf32, #tpu.memory_space<vmem_shared>>
      tpu.wait_dma2 semaphore(%run_scoped3A : memref<!tpu.dma_semaphore, #tpu.memory_space<semaphore_mem>>) src(%dma_wait3A_23 : memref<624x128xf32, #tpu.memory_space<vmem_shared>>) dst(%dma_wait3A_21 : memref<624x128xf32, #tpu.memory_space<hbm>>)
      tpu.yield
    }) : () -> ()
    %eq3A_11 = arith.constant 0 : i32
    %eq3A_12 = arith.cmpi eq, %arg1, %eq3A_11 : i32
    %convert_element_type3A_13 = arith.extui %eq3A_12 : i1 to i32
    %cond3A_14 = arith.constant 0 : i32
    %cond3A_15 = arith.cmpi ne, %convert_element_type3A_13, %cond3A_14 : i32
    scf.if %cond3A_15 {
      "tpu.region"() ({
        %run_scoped3A = tpu.sem_alloc : memref<!tpu.dma_semaphore, #tpu.memory_space<semaphore_mem>>
        %dma_start3A = arith.constant 9984 : i32
        %dma_start3A_16 = arith.constant 0 : i32
        %dma_start3A_17 = tpu.memref_slice %arg6[%arg0, %dma_start3A, %dma_start3A_16] : memref<2x10000x128xf32, #tpu.memory_space<hbm>> -> memref<1x16x128xf32, #tpu.memory_space<hbm>>
        %dma_start3A_18 = tpu.memref_squeeze %dma_start3A_17 : memref<1x16x128xf32, #tpu.memory_space<hbm>> -> memref<16x128xf32, #tpu.memory_space<hbm>>
        %dma_start3A_19 = arith.constant 9984 : i32
        %dma_start3A_20 = arith.constant 0 : i32
        %dma_start3A_21 = tpu.memref_slice %arg10[%dma_start3A_19, %dma_start3A_20] : memref<10000x128xf32, #tpu.memory_space<vmem_shared>> -> memref<16x128xf32, #tpu.memory_space<vmem_shared>>
        tpu.enqueue_dma source(%dma_start3A_21 : memref<16x128xf32, #tpu.memory_space<vmem_shared>>) target(%dma_start3A_18 : memref<16x128xf32, #tpu.memory_space<hbm>>) target_semaphore(%run_scoped3A : memref<!tpu.dma_semaphore, #tpu.memory_space<semaphore_mem>>)
        %dma_wait3A = arith.constant 9984 : i32
        %dma_wait3A_22 = arith.constant 0 : i32
        %dma_wait3A_23 = tpu.memref_slice %arg6[%arg0, %dma_wait3A, %dma_wait3A_22] : memref<2x10000x128xf32, #tpu.memory_space<hbm>> -> memref<1x16x128xf32, #tpu.memory_space<hbm>>
        %dma_wait3A_24 = tpu.memref_squeeze %dma_wait3A_23 : memref<1x16x128xf32, #tpu.memory_space<hbm>> -> memref<16x128xf32, #tpu.memory_space<hbm>>
        %dma_wait3A_25 = arith.constant 9984 : i32
        %dma_wait3A_26 = arith.constant 0 : i32
        %dma_wait3A_27 = tpu.memref_slice %arg10[%dma_wait3A_25, %dma_wait3A_26] : memref<10000x128xf32, #tpu.memory_space<vmem_shared>> -> memref<16x128xf32, #tpu.memory_space<vmem_shared>>
        tpu.wait_dma2 semaphore(%run_scoped3A : memref<!tpu.dma_semaphore, #tpu.memory_space<semaphore_mem>>) src(%dma_wait3A_27 : memref<16x128xf32, #tpu.memory_space<vmem_shared>>) dst(%dma_wait3A_24 : memref<16x128xf32, #tpu.memory_space<hbm>>)
        tpu.yield
      }) : () -> ()
    } else {
    }
    return
  }
}

#map = affine_map<(d0, d1) -> (0, 0)>
#map1 = affine_map<(d0, d1) -> (0, 0, 0)>
module attributes {stable_mosaic.version = 14 : i64} {
  func.func @_sc_edge_agg_body(%arg0: i32, %arg1: i32, %arg2: memref<10000x128xf32, #tpu.memory_space<hbm>>, %arg3: memref<32x125x80xi32, #tpu.memory_space<hbm>>, %arg4: memref<32x125x80xi32, #tpu.memory_space<hbm>>, %arg5: memref<10000x128xf32, #tpu.memory_space<hbm>>, %arg6: memref<2x10000x128xf32, #tpu.memory_space<hbm>>, %arg7: memref<125x80xi32, #tpu.memory_space<vmem>>, %arg8: memref<125x80xi32, #tpu.memory_space<vmem>>, %arg9: memref<80x128xf32, #tpu.memory_space<vmem>>, %arg10: memref<10000x128xf32, #tpu.memory_space<vmem_shared>>, %arg11: memref<!tpu.dma_semaphore, #tpu.memory_space<semaphore_mem>>) attributes {dimension_semantics = [#tpu.dimension_semantics<core_parallel>, #tpu.dimension_semantics<subcore_parallel>], iteration_bounds = array<i64: 2, 16>, scalar_prefetch = 0 : i64, scratch_operands = 5 : i64, tpu.core_type = #tpu.core_type<sc_vector_subcore>, window_params = [{transform_indices = #map}, {transform_indices = #map1}, {transform_indices = #map1}, {transform_indices = #map}, {transform_indices = #map1}]} {
    %mul3A = arith.constant 16 : i32
    %mul3A_0 = arith.muli %arg0, %mul3A : i32
    %add3A = arith.addi %mul3A_0, %arg1 : i32
    %mul3A_1 = arith.constant 624 : i32
    %mul3A_2 = arith.muli %arg1, %mul3A_1 : i32
    %multiple_of3A = tpu.assume_multiple %mul3A_2, 8 : i32
    "tpu.region"() ({
      %run_scoped3A = tpu.sem_alloc : memref<!tpu.dma_semaphore, #tpu.memory_space<semaphore_mem>>
      %dma_start3A = arith.constant 0 : i32
      %dma_start3A_16 = tpu.memref_slice %arg10[%multiple_of3A, %dma_start3A] : memref<10000x128xf32, #tpu.memory_space<vmem_shared>> -> memref<624x128xf32, #tpu.memory_space<vmem_shared>>
      %dma_start3A_17 = arith.constant 0 : i32
      %dma_start3A_18 = tpu.memref_slice %arg5[%multiple_of3A, %dma_start3A_17] : memref<10000x128xf32, #tpu.memory_space<hbm>> -> memref<624x128xf32, #tpu.memory_space<hbm>>
      tpu.enqueue_dma source(%dma_start3A_18 : memref<624x128xf32, #tpu.memory_space<hbm>>) target(%dma_start3A_16 : memref<624x128xf32, #tpu.memory_space<vmem_shared>>) target_semaphore(%run_scoped3A : memref<!tpu.dma_semaphore, #tpu.memory_space<semaphore_mem>>)
      %dma_wait3A = arith.constant 0 : i32
      %dma_wait3A_19 = tpu.memref_slice %arg10[%multiple_of3A, %dma_wait3A] : memref<10000x128xf32, #tpu.memory_space<vmem_shared>> -> memref<624x128xf32, #tpu.memory_space<vmem_shared>>
      %dma_wait3A_20 = arith.constant 0 : i32
      %dma_wait3A_21 = tpu.memref_slice %arg5[%multiple_of3A, %dma_wait3A_20] : memref<10000x128xf32, #tpu.memory_space<hbm>> -> memref<624x128xf32, #tpu.memory_space<hbm>>
      tpu.wait_dma2 semaphore(%run_scoped3A : memref<!tpu.dma_semaphore, #tpu.memory_space<semaphore_mem>>) src(%dma_wait3A_21 : memref<624x128xf32, #tpu.memory_space<hbm>>) dst(%dma_wait3A_19 : memref<624x128xf32, #tpu.memory_space<vmem_shared>>)
      tpu.yield
    }) : () -> ()
    %eq3A = arith.constant 0 : i32
    %eq3A_3 = arith.cmpi eq, %arg1, %eq3A : i32
    %convert_element_type3A = arith.extui %eq3A_3 : i1 to i32
    %cond3A = arith.constant 0 : i32
    %cond3A_4 = arith.cmpi ne, %convert_element_type3A, %cond3A : i32
    scf.if %cond3A_4 {
      "tpu.region"() ({
        %run_scoped3A = tpu.sem_alloc : memref<!tpu.dma_semaphore, #tpu.memory_space<semaphore_mem>>
        %dma_start3A = arith.constant 9984 : i32
        %dma_start3A_16 = arith.constant 0 : i32
        %dma_start3A_17 = tpu.memref_slice %arg10[%dma_start3A, %dma_start3A_16] : memref<10000x128xf32, #tpu.memory_space<vmem_shared>> -> memref<16x128xf32, #tpu.memory_space<vmem_shared>>
        %dma_start3A_18 = arith.constant 9984 : i32
        %dma_start3A_19 = arith.constant 0 : i32
        %dma_start3A_20 = tpu.memref_slice %arg5[%dma_start3A_18, %dma_start3A_19] : memref<10000x128xf32, #tpu.memory_space<hbm>> -> memref<16x128xf32, #tpu.memory_space<hbm>>
        tpu.enqueue_dma source(%dma_start3A_20 : memref<16x128xf32, #tpu.memory_space<hbm>>) target(%dma_start3A_17 : memref<16x128xf32, #tpu.memory_space<vmem_shared>>) target_semaphore(%run_scoped3A : memref<!tpu.dma_semaphore, #tpu.memory_space<semaphore_mem>>)
        %dma_wait3A = arith.constant 9984 : i32
        %dma_wait3A_21 = arith.constant 0 : i32
        %dma_wait3A_22 = tpu.memref_slice %arg10[%dma_wait3A, %dma_wait3A_21] : memref<10000x128xf32, #tpu.memory_space<vmem_shared>> -> memref<16x128xf32, #tpu.memory_space<vmem_shared>>
        %dma_wait3A_23 = arith.constant 9984 : i32
        %dma_wait3A_24 = arith.constant 0 : i32
        %dma_wait3A_25 = tpu.memref_slice %arg5[%dma_wait3A_23, %dma_wait3A_24] : memref<10000x128xf32, #tpu.memory_space<hbm>> -> memref<16x128xf32, #tpu.memory_space<hbm>>
        tpu.wait_dma2 semaphore(%run_scoped3A : memref<!tpu.dma_semaphore, #tpu.memory_space<semaphore_mem>>) src(%dma_wait3A_25 : memref<16x128xf32, #tpu.memory_space<hbm>>) dst(%dma_wait3A_22 : memref<16x128xf32, #tpu.memory_space<vmem_shared>>)
        tpu.yield
      }) : () -> ()
    } else {
    }
    %barrier3A = arith.constant 0 : index
    tpu.barrier barrier_id(%barrier3A)
    "tpu.region"() ({
      %run_scoped3A = tpu.sem_alloc : memref<!tpu.dma_semaphore, #tpu.memory_space<semaphore_mem>>
      %dma_start3A = arith.constant 0 : i32
      %dma_start3A_16 = arith.constant 0 : i32
      %dma_start3A_17 = tpu.memref_slice %arg3[%add3A, %dma_start3A, %dma_start3A_16] : memref<32x125x80xi32, #tpu.memory_space<hbm>> -> memref<1x125x80xi32, #tpu.memory_space<hbm>>
      %dma_start3A_18 = tpu.memref_squeeze %dma_start3A_17 : memref<1x125x80xi32, #tpu.memory_space<hbm>> -> memref<125x80xi32, #tpu.memory_space<hbm>>
      %dma_start3A_19 = arith.constant 0 : i32
      %dma_start3A_20 = arith.constant 0 : i32
      %dma_start3A_21 = tpu.memref_slice %arg3[%add3A, %dma_start3A_19, %dma_start3A_20] : memref<32x125x80xi32, #tpu.memory_space<hbm>> -> memref<1x125x80xi32, #tpu.memory_space<hbm>>
      %dma_start3A_22 = tpu.memref_squeeze %dma_start3A_21 : memref<1x125x80xi32, #tpu.memory_space<hbm>> -> memref<125x80xi32, #tpu.memory_space<hbm>>
      tpu.enqueue_dma source(%dma_start3A_22 : memref<125x80xi32, #tpu.memory_space<hbm>>) target(%arg7 : memref<125x80xi32, #tpu.memory_space<vmem>>) target_semaphore(%run_scoped3A : memref<!tpu.dma_semaphore, #tpu.memory_space<semaphore_mem>>)
      %dma_wait3A = arith.constant 0 : i32
      %dma_wait3A_23 = arith.constant 0 : i32
      %dma_wait3A_24 = tpu.memref_slice %arg3[%add3A, %dma_wait3A, %dma_wait3A_23] : memref<32x125x80xi32, #tpu.memory_space<hbm>> -> memref<1x125x80xi32, #tpu.memory_space<hbm>>
      %dma_wait3A_25 = tpu.memref_squeeze %dma_wait3A_24 : memref<1x125x80xi32, #tpu.memory_space<hbm>> -> memref<125x80xi32, #tpu.memory_space<hbm>>
      %dma_wait3A_26 = arith.constant 0 : i32
      %dma_wait3A_27 = arith.constant 0 : i32
      %dma_wait3A_28 = tpu.memref_slice %arg3[%add3A, %dma_wait3A_26, %dma_wait3A_27] : memref<32x125x80xi32, #tpu.memory_space<hbm>> -> memref<1x125x80xi32, #tpu.memory_space<hbm>>
      %dma_wait3A_29 = tpu.memref_squeeze %dma_wait3A_28 : memref<1x125x80xi32, #tpu.memory_space<hbm>> -> memref<125x80xi32, #tpu.memory_space<hbm>>
      tpu.wait_dma2 semaphore(%run_scoped3A : memref<!tpu.dma_semaphore, #tpu.memory_space<semaphore_mem>>) src(%dma_wait3A_29 : memref<125x80xi32, #tpu.memory_space<hbm>>) dst(%arg7 : memref<125x80xi32, #tpu.memory_space<vmem>>)
      tpu.yield
    }) : () -> ()
    "tpu.region"() ({
      %run_scoped3A = tpu.sem_alloc : memref<!tpu.dma_semaphore, #tpu.memory_space<semaphore_mem>>
      %dma_start3A = arith.constant 0 : i32
      %dma_start3A_16 = arith.constant 0 : i32
      %dma_start3A_17 = tpu.memref_slice %arg4[%add3A, %dma_start3A, %dma_start3A_16] : memref<32x125x80xi32, #tpu.memory_space<hbm>> -> memref<1x125x80xi32, #tpu.memory_space<hbm>>
      %dma_start3A_18 = tpu.memref_squeeze %dma_start3A_17 : memref<1x125x80xi32, #tpu.memory_space<hbm>> -> memref<125x80xi32, #tpu.memory_space<hbm>>
      %dma_start3A_19 = arith.constant 0 : i32
      %dma_start3A_20 = arith.constant 0 : i32
      %dma_start3A_21 = tpu.memref_slice %arg4[%add3A, %dma_start3A_19, %dma_start3A_20] : memref<32x125x80xi32, #tpu.memory_space<hbm>> -> memref<1x125x80xi32, #tpu.memory_space<hbm>>
      %dma_start3A_22 = tpu.memref_squeeze %dma_start3A_21 : memref<1x125x80xi32, #tpu.memory_space<hbm>> -> memref<125x80xi32, #tpu.memory_space<hbm>>
      tpu.enqueue_dma source(%dma_start3A_22 : memref<125x80xi32, #tpu.memory_space<hbm>>) target(%arg8 : memref<125x80xi32, #tpu.memory_space<vmem>>) target_semaphore(%run_scoped3A : memref<!tpu.dma_semaphore, #tpu.memory_space<semaphore_mem>>)
      %dma_wait3A = arith.constant 0 : i32
      %dma_wait3A_23 = arith.constant 0 : i32
      %dma_wait3A_24 = tpu.memref_slice %arg4[%add3A, %dma_wait3A, %dma_wait3A_23] : memref<32x125x80xi32, #tpu.memory_space<hbm>> -> memref<1x125x80xi32, #tpu.memory_space<hbm>>
      %dma_wait3A_25 = tpu.memref_squeeze %dma_wait3A_24 : memref<1x125x80xi32, #tpu.memory_space<hbm>> -> memref<125x80xi32, #tpu.memory_space<hbm>>
      %dma_wait3A_26 = arith.constant 0 : i32
      %dma_wait3A_27 = arith.constant 0 : i32
      %dma_wait3A_28 = tpu.memref_slice %arg4[%add3A, %dma_wait3A_26, %dma_wait3A_27] : memref<32x125x80xi32, #tpu.memory_space<hbm>> -> memref<1x125x80xi32, #tpu.memory_space<hbm>>
      %dma_wait3A_29 = tpu.memref_squeeze %dma_wait3A_28 : memref<1x125x80xi32, #tpu.memory_space<hbm>> -> memref<125x80xi32, #tpu.memory_space<hbm>>
      tpu.wait_dma2 semaphore(%run_scoped3A : memref<!tpu.dma_semaphore, #tpu.memory_space<semaphore_mem>>) src(%dma_wait3A_29 : memref<125x80xi32, #tpu.memory_space<hbm>>) dst(%arg8 : memref<125x80xi32, #tpu.memory_space<vmem>>)
      tpu.yield
    }) : () -> ()
    %scan3A = arith.constant 0 : i32
    %scan3A_5 = arith.constant 0 : i32
    %scan3A_6 = arith.constant 125 : i32
    %scan3A_7 = arith.addi %scan3A_5, %scan3A_6 : i32
    %scan3A_8 = arith.constant 1 : i32
    scf.for %scan3A_16 = %scan3A_5 to %scan3A_7 step %scan3A_8  : i32 {
      %dma_start3A = arith.constant 0 : i32
      %dma_start3A_17 = tpu.memref_slice %arg7[%scan3A_16, %dma_start3A] : memref<125x80xi32, #tpu.memory_space<vmem>> -> memref<1x80xi32, #tpu.memory_space<vmem>>
      %dma_start3A_18 = tpu.memref_squeeze %dma_start3A_17 : memref<1x80xi32, #tpu.memory_space<vmem>> -> memref<80xi32, #tpu.memory_space<vmem>>
      %dma_start3A_19 = arith.constant 0 : i32
      %dma_start3A_20 = arith.constant 0 : i32
      %dma_start3A_21 = tpu.memref_slice %arg2[%dma_start3A_19, %dma_start3A_20] : memref<10000x128xf32, #tpu.memory_space<hbm>> -> memref<10000x128xf32, #tpu.memory_space<hbm>>
      tpu.enqueue_indirect_dma source(%dma_start3A_21 : memref<10000x128xf32, #tpu.memory_space<hbm>>) target(%arg9 : memref<80x128xf32, #tpu.memory_space<vmem>>) offsets(%dma_start3A_18 : memref<80xi32, #tpu.memory_space<vmem>>) semaphore(%arg11 : memref<!tpu.dma_semaphore, #tpu.memory_space<semaphore_mem>>)
      %dma_wait3A = arith.constant 0 : i32
      %dma_wait3A_22 = tpu.memref_slice %arg7[%scan3A_16, %dma_wait3A] : memref<125x80xi32, #tpu.memory_space<vmem>> -> memref<1x80xi32, #tpu.memory_space<vmem>>
      %dma_wait3A_23 = tpu.memref_squeeze %dma_wait3A_22 : memref<1x80xi32, #tpu.memory_space<vmem>> -> memref<80xi32, #tpu.memory_space<vmem>>
      %dma_wait3A_24 = arith.constant 0 : i32
      %dma_wait3A_25 = arith.constant 0 : i32
      %dma_wait3A_26 = tpu.memref_slice %arg2[%dma_wait3A_24, %dma_wait3A_25] : memref<10000x128xf32, #tpu.memory_space<hbm>> -> memref<10000x128xf32, #tpu.memory_space<hbm>>
      tpu.wait_indirect_dma semaphore(%arg11 : memref<!tpu.dma_semaphore, #tpu.memory_space<semaphore_mem>>) src(%dma_wait3A_26 : memref<10000x128xf32, #tpu.memory_space<hbm>>) dst(%arg9 : memref<80x128xf32, #tpu.memory_space<vmem>>)
      "tpu.region"() ({
        %run_scoped3A = tpu.sem_alloc : memref<!tpu.dma_semaphore, #tpu.memory_space<semaphore_mem>>
        %dma_start3A_27 = arith.constant 0 : i32
        %dma_start3A_28 = tpu.memref_slice %arg8[%scan3A_16, %dma_start3A_27] : memref<125x80xi32, #tpu.memory_space<vmem>> -> memref<1x80xi32, #tpu.memory_space<vmem>>
        %dma_start3A_29 = tpu.memref_squeeze %dma_start3A_28 : memref<1x80xi32, #tpu.memory_space<vmem>> -> memref<80xi32, #tpu.memory_space<vmem>>
        %dma_start3A_30 = arith.constant 0 : i32
        %dma_start3A_31 = arith.constant 0 : i32
        %dma_start3A_32 = tpu.memref_slice %arg10[%dma_start3A_30, %dma_start3A_31] : memref<10000x128xf32, #tpu.memory_space<vmem_shared>> -> memref<10000x128xf32, #tpu.memory_space<vmem_shared>>
        tpu.enqueue_indirect_dma source(%arg9 : memref<80x128xf32, #tpu.memory_space<vmem>>) target(%dma_start3A_32 : memref<10000x128xf32, #tpu.memory_space<vmem_shared>>) offsets(%dma_start3A_29 : memref<80xi32, #tpu.memory_space<vmem>>) semaphore(%run_scoped3A : memref<!tpu.dma_semaphore, #tpu.memory_space<semaphore_mem>>) {add = true}
        %dma_wait3A_33 = arith.constant 0 : i32
        %dma_wait3A_34 = tpu.memref_slice %arg8[%scan3A_16, %dma_wait3A_33] : memref<125x80xi32, #tpu.memory_space<vmem>> -> memref<1x80xi32, #tpu.memory_space<vmem>>
        %dma_wait3A_35 = tpu.memref_squeeze %dma_wait3A_34 : memref<1x80xi32, #tpu.memory_space<vmem>> -> memref<80xi32, #tpu.memory_space<vmem>>
        %dma_wait3A_36 = arith.constant 0 : i32
        %dma_wait3A_37 = arith.constant 0 : i32
        %dma_wait3A_38 = tpu.memref_slice %arg10[%dma_wait3A_36, %dma_wait3A_37] : memref<10000x128xf32, #tpu.memory_space<vmem_shared>> -> memref<10000x128xf32, #tpu.memory_space<vmem_shared>>
        tpu.wait_indirect_dma semaphore(%run_scoped3A : memref<!tpu.dma_semaphore, #tpu.memory_space<semaphore_mem>>) src(%arg9 : memref<80x128xf32, #tpu.memory_space<vmem>>) dst(%dma_wait3A_38 : memref<10000x128xf32, #tpu.memory_space<vmem_shared>>)
        tpu.yield
      }) : () -> ()
    }
    %scan3A_9 = arith.constant 125 : i32
    %barrier3A_10 = arith.constant 0 : index
    tpu.barrier barrier_id(%barrier3A_10)
    "tpu.region"() ({
      %run_scoped3A = tpu.sem_alloc : memref<!tpu.dma_semaphore, #tpu.memory_space<semaphore_mem>>
      %dma_start3A = arith.constant 0 : i32
      %dma_start3A_16 = tpu.memref_slice %arg6[%arg0, %multiple_of3A, %dma_start3A] : memref<2x10000x128xf32, #tpu.memory_space<hbm>> -> memref<1x624x128xf32, #tpu.memory_space<hbm>>
      %dma_start3A_17 = tpu.memref_squeeze %dma_start3A_16 : memref<1x624x128xf32, #tpu.memory_space<hbm>> -> memref<624x128xf32, #tpu.memory_space<hbm>>
      %dma_start3A_18 = arith.constant 0 : i32
      %dma_start3A_19 = tpu.memref_slice %arg10[%multiple_of3A, %dma_start3A_18] : memref<10000x128xf32, #tpu.memory_space<vmem_shared>> -> memref<624x128xf32, #tpu.memory_space<vmem_shared>>
      tpu.enqueue_dma source(%dma_start3A_19 : memref<624x128xf32, #tpu.memory_space<vmem_shared>>) target(%dma_start3A_17 : memref<624x128xf32, #tpu.memory_space<hbm>>) target_semaphore(%run_scoped3A : memref<!tpu.dma_semaphore, #tpu.memory_space<semaphore_mem>>)
      %dma_wait3A = arith.constant 0 : i32
      %dma_wait3A_20 = tpu.memref_slice %arg6[%arg0, %multiple_of3A, %dma_wait3A] : memref<2x10000x128xf32, #tpu.memory_space<hbm>> -> memref<1x624x128xf32, #tpu.memory_space<hbm>>
      %dma_wait3A_21 = tpu.memref_squeeze %dma_wait3A_20 : memref<1x624x128xf32, #tpu.memory_space<hbm>> -> memref<624x128xf32, #tpu.memory_space<hbm>>
      %dma_wait3A_22 = arith.constant 0 : i32
      %dma_wait3A_23 = tpu.memref_slice %arg10[%multiple_of3A, %dma_wait3A_22] : memref<10000x128xf32, #tpu.memory_space<vmem_shared>> -> memref<624x128xf32, #tpu.memory_space<vmem_shared>>
      tpu.wait_dma2 semaphore(%run_scoped3A : memref<!tpu.dma_semaphore, #tpu.memory_space<semaphore_mem>>) src(%dma_wait3A_23 : memref<624x128xf32, #tpu.memory_space<vmem_shared>>) dst(%dma_wait3A_21 : memref<624x128xf32, #tpu.memory_space<hbm>>)
      tpu.yield
    }) : () -> ()
    %eq3A_11 = arith.constant 0 : i32
    %eq3A_12 = arith.cmpi eq, %arg1, %eq3A_11 : i32
    %convert_element_type3A_13 = arith.extui %eq3A_12 : i1 to i32
    %cond3A_14 = arith.constant 0 : i32
    %cond3A_15 = arith.cmpi ne, %convert_element_type3A_13, %cond3A_14 : i32
    scf.if %cond3A_15 {
      "tpu.region"() ({
        %run_scoped3A = tpu.sem_alloc : memref<!tpu.dma_semaphore, #tpu.memory_space<semaphore_mem>>
        %dma_start3A = arith.constant 9984 : i32
        %dma_start3A_16 = arith.constant 0 : i32
        %dma_start3A_17 = tpu.memref_slice %arg6[%arg0, %dma_start3A, %dma_start3A_16] : memref<2x10000x128xf32, #tpu.memory_space<hbm>> -> memref<1x16x128xf32, #tpu.memory_space<hbm>>
        %dma_start3A_18 = tpu.memref_squeeze %dma_start3A_17 : memref<1x16x128xf32, #tpu.memory_space<hbm>> -> memref<16x128xf32, #tpu.memory_space<hbm>>
        %dma_start3A_19 = arith.constant 9984 : i32
        %dma_start3A_20 = arith.constant 0 : i32
        %dma_start3A_21 = tpu.memref_slice %arg10[%dma_start3A_19, %dma_start3A_20] : memref<10000x128xf32, #tpu.memory_space<vmem_shared>> -> memref<16x128xf32, #tpu.memory_space<vmem_shared>>
        tpu.enqueue_dma source(%dma_start3A_21 : memref<16x128xf32, #tpu.memory_space<vmem_shared>>) target(%dma_start3A_18 : memref<16x128xf32, #tpu.memory_space<hbm>>) target_semaphore(%run_scoped3A : memref<!tpu.dma_semaphore, #tpu.memory_space<semaphore_mem>>)
        %dma_wait3A = arith.constant 9984 : i32
        %dma_wait3A_22 = arith.constant 0 : i32
        %dma_wait3A_23 = tpu.memref_slice %arg6[%arg0, %dma_wait3A, %dma_wait3A_22] : memref<2x10000x128xf32, #tpu.memory_space<hbm>> -> memref<1x16x128xf32, #tpu.memory_space<hbm>>
        %dma_wait3A_24 = tpu.memref_squeeze %dma_wait3A_23 : memref<1x16x128xf32, #tpu.memory_space<hbm>> -> memref<16x128xf32, #tpu.memory_space<hbm>>
        %dma_wait3A_25 = arith.constant 9984 : i32
        %dma_wait3A_26 = arith.constant 0 : i32
        %dma_wait3A_27 = tpu.memref_slice %arg10[%dma_wait3A_25, %dma_wait3A_26] : memref<10000x128xf32, #tpu.memory_space<vmem_shared>> -> memref<16x128xf32, #tpu.memory_space<vmem_shared>>
        tpu.wait_dma2 semaphore(%run_scoped3A : memref<!tpu.dma_semaphore, #tpu.memory_space<semaphore_mem>>) src(%dma_wait3A_27 : memref<16x128xf32, #tpu.memory_space<vmem_shared>>) dst(%dma_wait3A_24 : memref<16x128xf32, #tpu.memory_space<hbm>>)
        tpu.yield
      }) : () -> ()
    } else {
    }
    return
  }
}

module attributes {stable_mosaic.version = 14 : i64} {
  func.func @_mlp_body(%arg0: memref<10000x128xf32, #tpu.memory_space<vmem>>, %arg1: memref<10000x128xf32, #tpu.memory_space<vmem>>, %arg2: memref<10000x128xf32, #tpu.memory_space<vmem>>, %arg3: memref<128x128xf32, #tpu.memory_space<vmem>>, %arg4: memref<1x128xf32, #tpu.memory_space<vmem>>, %arg5: memref<1x128xf32, #tpu.memory_space<vmem>>, %arg6: memref<1x128xf32, #tpu.memory_space<vmem>>, %arg7: memref<128x128xf32, #tpu.memory_space<vmem>>, %arg8: memref<1x128xf32, #tpu.memory_space<vmem>>, %arg9: memref<10000x128xf32, #tpu.memory_space<vmem>>) attributes {dimension_semantics = [], scalar_prefetch = 0 : i64, scratch_operands = 0 : i64, tpu.core_type = #tpu.core_type<tc>} {
    %get3A = arith.constant 0 : index
    %get3A_0 = arith.constant 0 : index
    %get3A_1 = vector.load %arg0[%get3A, %get3A_0] : memref<10000x128xf32, #tpu.memory_space<vmem>>, vector<10000x128xf32>
    %get3A_2 = arith.constant 0 : index
    %get3A_3 = arith.constant 0 : index
    %get3A_4 = vector.load %arg1[%get3A_2, %get3A_3] : memref<10000x128xf32, #tpu.memory_space<vmem>>, vector<10000x128xf32>
    %add3A = arith.addf %get3A_1, %get3A_4 : vector<10000x128xf32>
    %get3A_5 = arith.constant 0 : index
    %get3A_6 = arith.constant 0 : index
    %get3A_7 = vector.load %arg2[%get3A_5, %get3A_6] : memref<10000x128xf32, #tpu.memory_space<vmem>>, vector<10000x128xf32>
    %add3A_8 = arith.addf %add3A, %get3A_7 : vector<10000x128xf32>
    %get3A_9 = arith.constant 0 : index
    %get3A_10 = arith.constant 0 : index
    %get3A_11 = vector.load %arg3[%get3A_9, %get3A_10] : memref<128x128xf32, #tpu.memory_space<vmem>>, vector<128x128xf32>
    %dot_general3A = arith.constant dense<0.000000e+00> : vector<10000x128xf32>
    %dot_general3A_12 = tpu.matmul %add3A_8, %get3A_11, %dot_general3A {dimension_numbers = #tpu.dot_dimension_numbers<[1], [1], [0], [0], [0, 0, 1, 0], [], []>, precision = #tpu.contract_precision<fp32>, transpose_lhs_hint = false} : vector<10000x128xf32>, vector<128x128xf32>, vector<10000x128xf32> -> vector<10000x128xf32>
    %get3A_13 = arith.constant 0 : index
    %get3A_14 = arith.constant 0 : index
    %get3A_15 = vector.load %arg4[%get3A_13, %get3A_14] : memref<1x128xf32, #tpu.memory_space<vmem>>, vector<1x128xf32>
    %add3A_16 = vector.broadcast %get3A_15 : vector<1x128xf32> to vector<10000x128xf32>
    %add3A_17 = arith.addf %dot_general3A_12, %add3A_16 : vector<10000x128xf32>
    %reduce_sum3A = arith.constant dense<0.000000e+00> : vector<128xf32>
    %reduce_sum3A_18 = vector.multi_reduction <add>, %add3A_17, %reduce_sum3A [0] : vector<10000x128xf32> to vector<128xf32>
    %broadcast_in_dim3A = vector.shape_cast %reduce_sum3A_18 : vector<128xf32> to vector<1x128xf32>
    %div3A = arith.constant 1.000000e+04 : f32
    %div3A_19 = vector.broadcast %div3A : f32 to vector<1x128xf32>
    %div3A_20 = arith.divf %broadcast_in_dim3A, %div3A_19 : vector<1x128xf32>
    %sub3A = vector.broadcast %div3A_20 : vector<1x128xf32> to vector<10000x128xf32>
    %sub3A_21 = arith.subf %add3A_17, %sub3A : vector<10000x128xf32>
    %sub3A_22 = vector.broadcast %div3A_20 : vector<1x128xf32> to vector<10000x128xf32>
    %sub3A_23 = arith.subf %add3A_17, %sub3A_22 : vector<10000x128xf32>
    %mul3A = arith.mulf %sub3A_21, %sub3A_23 : vector<10000x128xf32>
    %reduce_sum3A_24 = arith.constant dense<0.000000e+00> : vector<128xf32>
    %reduce_sum3A_25 = vector.multi_reduction <add>, %mul3A, %reduce_sum3A_24 [0] : vector<10000x128xf32> to vector<128xf32>
    %broadcast_in_dim3A_26 = vector.shape_cast %reduce_sum3A_25 : vector<128xf32> to vector<1x128xf32>
    %div3A_27 = arith.constant 1.000000e+04 : f32
    %div3A_28 = vector.broadcast %div3A_27 : f32 to vector<1x128xf32>
    %div3A_29 = arith.divf %broadcast_in_dim3A_26, %div3A_28 : vector<1x128xf32>
    %sub3A_30 = vector.broadcast %div3A_20 : vector<1x128xf32> to vector<10000x128xf32>
    %sub3A_31 = arith.subf %add3A_17, %sub3A_30 : vector<10000x128xf32>
    %add3A_32 = arith.constant 9.99999974E-6 : f32
    %add3A_33 = vector.broadcast %add3A_32 : f32 to vector<1x128xf32>
    %add3A_34 = arith.addf %div3A_29, %add3A_33 : vector<1x128xf32>
    %rsqrt3A = math.rsqrt %add3A_34 : vector<1x128xf32>
    %mul3A_35 = vector.broadcast %rsqrt3A : vector<1x128xf32> to vector<10000x128xf32>
    %mul3A_36 = arith.mulf %sub3A_31, %mul3A_35 : vector<10000x128xf32>
    %get3A_37 = arith.constant 0 : index
    %get3A_38 = arith.constant 0 : index
    %get3A_39 = vector.load %arg5[%get3A_37, %get3A_38] : memref<1x128xf32, #tpu.memory_space<vmem>>, vector<1x128xf32>
    %mul3A_40 = vector.broadcast %get3A_39 : vector<1x128xf32> to vector<10000x128xf32>
    %mul3A_41 = arith.mulf %mul3A_36, %mul3A_40 : vector<10000x128xf32>
    %get3A_42 = arith.constant 0 : index
    %get3A_43 = arith.constant 0 : index
    %get3A_44 = vector.load %arg6[%get3A_42, %get3A_43] : memref<1x128xf32, #tpu.memory_space<vmem>>, vector<1x128xf32>
    %add3A_45 = vector.broadcast %get3A_44 : vector<1x128xf32> to vector<10000x128xf32>
    %add3A_46 = arith.addf %mul3A_41, %add3A_45 : vector<10000x128xf32>
    %max3A = arith.constant 0.000000e+00 : f32
    %max3A_47 = vector.broadcast %max3A : f32 to vector<10000x128xf32>
    %max3A_48 = arith.maximumf %add3A_46, %max3A_47 : vector<10000x128xf32>
    %get3A_49 = arith.constant 0 : index
    %get3A_50 = arith.constant 0 : index
    %get3A_51 = vector.load %arg7[%get3A_49, %get3A_50] : memref<128x128xf32, #tpu.memory_space<vmem>>, vector<128x128xf32>
    %dot_general3A_52 = arith.constant dense<0.000000e+00> : vector<10000x128xf32>
    %dot_general3A_53 = tpu.matmul %max3A_48, %get3A_51, %dot_general3A_52 {dimension_numbers = #tpu.dot_dimension_numbers<[1], [1], [0], [0], [0, 0, 1, 0], [], []>, precision = #tpu.contract_precision<fp32>, transpose_lhs_hint = false} : vector<10000x128xf32>, vector<128x128xf32>, vector<10000x128xf32> -> vector<10000x128xf32>
    %get3A_54 = arith.constant 0 : index
    %get3A_55 = arith.constant 0 : index
    %get3A_56 = vector.load %arg8[%get3A_54, %get3A_55] : memref<1x128xf32, #tpu.memory_space<vmem>>, vector<1x128xf32>
    %add3A_57 = vector.broadcast %get3A_56 : vector<1x128xf32> to vector<10000x128xf32>
    %add3A_58 = arith.addf %dot_general3A_53, %add3A_57 : vector<10000x128xf32>
    %max3A_59 = arith.constant 0.000000e+00 : f32
    %max3A_60 = vector.broadcast %max3A_59 : f32 to vector<10000x128xf32>
    %max3A_61 = arith.maximumf %add3A_58, %max3A_60 : vector<10000x128xf32>
    %add3A_62 = arith.addf %max3A_61, %get3A_1 : vector<10000x128xf32>
    %swap3A = arith.constant 0 : index
    %swap3A_63 = arith.constant 0 : index
    %swap3A_64 = vector.load %arg9[%swap3A, %swap3A_63] : memref<10000x128xf32, #tpu.memory_space<vmem>>, vector<10000x128xf32>
    tpu.vector_store %arg9[%swap3A, %swap3A_63], %add3A_62 {strides = array<i32>} : memref<10000x128xf32, #tpu.memory_space<vmem>>, vector<10000x128xf32>,
    return
  }
}

module attributes {stable_mosaic.version = 14 : i64} {
  func.func @_mlp_pool_body(%arg0: memref<10000x128xf32, #tpu.memory_space<vmem>>, %arg1: memref<10000x128xf32, #tpu.memory_space<vmem>>, %arg2: memref<10000x128xf32, #tpu.memory_space<vmem>>, %arg3: memref<128x128xf32, #tpu.memory_space<vmem>>, %arg4: memref<1x128xf32, #tpu.memory_space<vmem>>, %arg5: memref<1x128xf32, #tpu.memory_space<vmem>>, %arg6: memref<1x128xf32, #tpu.memory_space<vmem>>, %arg7: memref<128x128xf32, #tpu.memory_space<vmem>>, %arg8: memref<1x128xf32, #tpu.memory_space<vmem>>, %arg9: memref<10000x1xi32, #tpu.memory_space<vmem>>, %arg10: memref<10000x128xf32, #tpu.memory_space<vmem>>, %arg11: memref<64x128xf32, #tpu.memory_space<vmem>>) attributes {dimension_semantics = [], scalar_prefetch = 0 : i64, scratch_operands = 0 : i64, tpu.core_type = #tpu.core_type<tc>} {
    %get3A = arith.constant 0 : index
    %get3A_0 = arith.constant 0 : index
    %get3A_1 = vector.load %arg0[%get3A, %get3A_0] : memref<10000x128xf32, #tpu.memory_space<vmem>>, vector<10000x128xf32>
    %get3A_2 = arith.constant 0 : index
    %get3A_3 = arith.constant 0 : index
    %get3A_4 = vector.load %arg1[%get3A_2, %get3A_3] : memref<10000x128xf32, #tpu.memory_space<vmem>>, vector<10000x128xf32>
    %add3A = arith.addf %get3A_1, %get3A_4 : vector<10000x128xf32>
    %get3A_5 = arith.constant 0 : index
    %get3A_6 = arith.constant 0 : index
    %get3A_7 = vector.load %arg2[%get3A_5, %get3A_6] : memref<10000x128xf32, #tpu.memory_space<vmem>>, vector<10000x128xf32>
    %add3A_8 = arith.addf %add3A, %get3A_7 : vector<10000x128xf32>
    %get3A_9 = arith.constant 0 : index
    %get3A_10 = arith.constant 0 : index
    %get3A_11 = vector.load %arg3[%get3A_9, %get3A_10] : memref<128x128xf32, #tpu.memory_space<vmem>>, vector<128x128xf32>
    %dot_general3A = arith.constant dense<0.000000e+00> : vector<10000x128xf32>
    %dot_general3A_12 = tpu.matmul %add3A_8, %get3A_11, %dot_general3A {dimension_numbers = #tpu.dot_dimension_numbers<[1], [1], [0], [0], [0, 0, 1, 0], [], []>, precision = #tpu.contract_precision<fp32>, transpose_lhs_hint = false} : vector<10000x128xf32>, vector<128x128xf32>, vector<10000x128xf32> -> vector<10000x128xf32>
    %get3A_13 = arith.constant 0 : index
    %get3A_14 = arith.constant 0 : index
    %get3A_15 = vector.load %arg4[%get3A_13, %get3A_14] : memref<1x128xf32, #tpu.memory_space<vmem>>, vector<1x128xf32>
    %add3A_16 = vector.broadcast %get3A_15 : vector<1x128xf32> to vector<10000x128xf32>
    %add3A_17 = arith.addf %dot_general3A_12, %add3A_16 : vector<10000x128xf32>
    %reduce_sum3A = arith.constant dense<0.000000e+00> : vector<128xf32>
    %reduce_sum3A_18 = vector.multi_reduction <add>, %add3A_17, %reduce_sum3A [0] : vector<10000x128xf32> to vector<128xf32>
    %broadcast_in_dim3A = vector.shape_cast %reduce_sum3A_18 : vector<128xf32> to vector<1x128xf32>
    %div3A = arith.constant 1.000000e+04 : f32
    %div3A_19 = vector.broadcast %div3A : f32 to vector<1x128xf32>
    %div3A_20 = arith.divf %broadcast_in_dim3A, %div3A_19 : vector<1x128xf32>
    %sub3A = vector.broadcast %div3A_20 : vector<1x128xf32> to vector<10000x128xf32>
    %sub3A_21 = arith.subf %add3A_17, %sub3A : vector<10000x128xf32>
    %sub3A_22 = vector.broadcast %div3A_20 : vector<1x128xf32> to vector<10000x128xf32>
    %sub3A_23 = arith.subf %add3A_17, %sub3A_22 : vector<10000x128xf32>
    %mul3A = arith.mulf %sub3A_21, %sub3A_23 : vector<10000x128xf32>
    %reduce_sum3A_24 = arith.constant dense<0.000000e+00> : vector<128xf32>
    %reduce_sum3A_25 = vector.multi_reduction <add>, %mul3A, %reduce_sum3A_24 [0] : vector<10000x128xf32> to vector<128xf32>
    %broadcast_in_dim3A_26 = vector.shape_cast %reduce_sum3A_25 : vector<128xf32> to vector<1x128xf32>
    %div3A_27 = arith.constant 1.000000e+04 : f32
    %div3A_28 = vector.broadcast %div3A_27 : f32 to vector<1x128xf32>
    %div3A_29 = arith.divf %broadcast_in_dim3A_26, %div3A_28 : vector<1x128xf32>
    %sub3A_30 = vector.broadcast %div3A_20 : vector<1x128xf32> to vector<10000x128xf32>
    %sub3A_31 = arith.subf %add3A_17, %sub3A_30 : vector<10000x128xf32>
    %add3A_32 = arith.constant 9.99999974E-6 : f32
    %add3A_33 = vector.broadcast %add3A_32 : f32 to vector<1x128xf32>
    %add3A_34 = arith.addf %div3A_29, %add3A_33 : vector<1x128xf32>
    %rsqrt3A = math.rsqrt %add3A_34 : vector<1x128xf32>
    %mul3A_35 = vector.broadcast %rsqrt3A : vector<1x128xf32> to vector<10000x128xf32>
    %mul3A_36 = arith.mulf %sub3A_31, %mul3A_35 : vector<10000x128xf32>
    %get3A_37 = arith.constant 0 : index
    %get3A_38 = arith.constant 0 : index
    %get3A_39 = vector.load %arg5[%get3A_37, %get3A_38] : memref<1x128xf32, #tpu.memory_space<vmem>>, vector<1x128xf32>
    %mul3A_40 = vector.broadcast %get3A_39 : vector<1x128xf32> to vector<10000x128xf32>
    %mul3A_41 = arith.mulf %mul3A_36, %mul3A_40 : vector<10000x128xf32>
    %get3A_42 = arith.constant 0 : index
    %get3A_43 = arith.constant 0 : index
    %get3A_44 = vector.load %arg6[%get3A_42, %get3A_43] : memref<1x128xf32, #tpu.memory_space<vmem>>, vector<1x128xf32>
    %add3A_45 = vector.broadcast %get3A_44 : vector<1x128xf32> to vector<10000x128xf32>
    %add3A_46 = arith.addf %mul3A_41, %add3A_45 : vector<10000x128xf32>
    %max3A = arith.constant 0.000000e+00 : f32
    %max3A_47 = vector.broadcast %max3A : f32 to vector<10000x128xf32>
    %max3A_48 = arith.maximumf %add3A_46, %max3A_47 : vector<10000x128xf32>
    %get3A_49 = arith.constant 0 : index
    %get3A_50 = arith.constant 0 : index
    %get3A_51 = vector.load %arg7[%get3A_49, %get3A_50] : memref<128x128xf32, #tpu.memory_space<vmem>>, vector<128x128xf32>
    %dot_general3A_52 = arith.constant dense<0.000000e+00> : vector<10000x128xf32>
    %dot_general3A_53 = tpu.matmul %max3A_48, %get3A_51, %dot_general3A_52 {dimension_numbers = #tpu.dot_dimension_numbers<[1], [1], [0], [0], [0, 0, 1, 0], [], []>, precision = #tpu.contract_precision<fp32>, transpose_lhs_hint = false} : vector<10000x128xf32>, vector<128x128xf32>, vector<10000x128xf32> -> vector<10000x128xf32>
    %get3A_54 = arith.constant 0 : index
    %get3A_55 = arith.constant 0 : index
    %get3A_56 = vector.load %arg8[%get3A_54, %get3A_55] : memref<1x128xf32, #tpu.memory_space<vmem>>, vector<1x128xf32>
    %add3A_57 = vector.broadcast %get3A_56 : vector<1x128xf32> to vector<10000x128xf32>
    %add3A_58 = arith.addf %dot_general3A_53, %add3A_57 : vector<10000x128xf32>
    %max3A_59 = arith.constant 0.000000e+00 : f32
    %max3A_60 = vector.broadcast %max3A_59 : f32 to vector<10000x128xf32>
    %max3A_61 = arith.maximumf %add3A_58, %max3A_60 : vector<10000x128xf32>
    %add3A_62 = arith.addf %max3A_61, %get3A_1 : vector<10000x128xf32>
    %swap3A = arith.constant 0 : index
    %swap3A_63 = arith.constant 0 : index
    %swap3A_64 = vector.load %arg10[%swap3A, %swap3A_63] : memref<10000x128xf32, #tpu.memory_space<vmem>>, vector<10000x128xf32>
    tpu.vector_store %arg10[%swap3A, %swap3A_63], %add3A_62 {strides = array<i32>} : memref<10000x128xf32, #tpu.memory_space<vmem>>, vector<10000x128xf32>,
    %get3A_65 = arith.constant 0 : index
    %get3A_66 = arith.constant 0 : index
    %get3A_67 = vector.load %arg10[%get3A_65, %get3A_66] : memref<10000x128xf32, #tpu.memory_space<vmem>>, vector<10000x128xf32>
    %iota3A = tpu.iota {dimensions = array<i32: 1>} : vector<10000x64xi32>
    %get3A_68 = arith.constant 0 : index
    %get3A_69 = arith.constant 0 : index
    %get3A_70 = vector.load %arg9[%get3A_68, %get3A_69] : memref<10000x1xi32, #tpu.memory_space<vmem>>, vector<10000x1xi32>
    %eq3A = vector.broadcast %get3A_70 : vector<10000x1xi32> to vector<10000x64xi32>
    %eq3A_71 = arith.cmpi eq, %eq3A, %iota3A : vector<10000x64xi32>
    %convert_element_type3A = arith.extui %eq3A_71 : vector<10000x64xi1> to vector<10000x64xi32>
    %convert_element_type3A_72 = arith.sitofp %convert_element_type3A : vector<10000x64xi32> to vector<10000x64xf32>
    %dot_general3A_73 = arith.constant dense<0.000000e+00> : vector<64x128xf32>
    %dot_general3A_74 = tpu.matmul %convert_element_type3A_72, %get3A_67, %dot_general3A_73 {dimension_numbers = #tpu.dot_dimension_numbers<[0], [0], [1], [1], [0, 1, 1, 1], [], []>, precision = #tpu.contract_precision<fp32>, transpose_lhs_hint = false} : vector<10000x64xf32>, vector<10000x128xf32>, vector<64x128xf32> -> vector<64x128xf32>
    %swap3A_75 = arith.constant 0 : index
    %swap3A_76 = arith.constant 0 : index
    %swap3A_77 = vector.load %arg11[%swap3A_75, %swap3A_76] : memref<64x128xf32, #tpu.memory_space<vmem>>, vector<64x128xf32>
    tpu.vector_store %arg11[%swap3A_75, %swap3A_76], %dot_general3A_74 {strides = array<i32>} : memref<64x128xf32, #tpu.memory_space<vmem>>, vector<64x128xf32>,
    return
  }
}

</mosaic_0001>

<sc_bundles>
// kernel: kernel.11.cloned.1.call-start
scs
__scs_entry_jumppad:
0x0: {  	(pc) =	sbr.rel $0x88, $3  }
0x1: {  	(tag) =	ssettag $0x0;
	lr =	simm.s32 $0x1  }
0x2: {  	[smem:$0x3F98] =	sst lr;
	_ =	strace $0xD0000000  }
0x3: {  	_ = 	snop  }
0x4: {  	_ = 	snop  }
0x5: {  	_ = 	snop  }
0x6: {  	_ = 	snop  }
0x7: {  	_ = 	snop  }
__scs_overlays_trampoline_lowered:
0x8: {  	[smem:$0x3FA7] =	sst s0  }
0x9: {  	[smem:$0x3FA8] =	sst s1  }
0xa: {  	[smem:$0x3FA9] =	sst s2  }
0xb: {  	[smem:$0x3FAA] =	sst s3  }
0xc: {  	[smem:$0x3FAB] =	sst s4  }
0xd: {  	[smem:$0x3FAC] =	sst s5  }
0xe: {  	[smem:$0x3FAD] =	sst s6  }
0xf: {  	[smem:$0x3FAE] =	sst s7  }
0x10: {  	[smem:$0x3FAF] =	sst s8  }
0x11: {  	[smem:$0x3FB0] =	sst s9;
	s0 =	simm.s32 @!p0 $0x0  }
0x12: {  	s1 =	sld [smem:$0x3F96];
	s0 =	simm.s32 @p0 $0x1  }
0x13: {  	[smem:$0x3FB1] =	sst s0;
	s0 =	simm.s32 @!p1 $0x0  }
0x14: {  	s2 =	sld [smem:$0x3F95];
	s0 =	simm.s32 @p1 $0x1  }
0x15: {  	[smem:$0x3FB2] =	sst s0;
	s0 =	simm.s32 @!p2 $0x0  }
0x16: {  	s3 =	sld [smem:$0x3FDB];
	s0 =	simm.s32 @p2 $0x1  }
0x17: {  	s4 =	simm.s32 $0x1BF5;
	[smem:$0x3FB4] =	sst s0  }
0x18: {  	s0 =	sld [smem:$0x3F97];
	_ =	swait.ge [sflag:s4], $0x0  }
0x19: {  	s7 =	sld [smem:$0x3F98]  }
0x1a: {  	s8 =	sadd.s32 $0xFFFFE003, lr  }
0x1b: {  	s9 =	sadd.s32 $0xFFFFFEF7, lr;
	s5 =	simm.s32 $0xFFFFFFFF;
	p2 =	slt.u32 s8, $0xFFFFF086  }
0x1c: {  	p1 =	slt.u32 s9, $0xF7A;
	s5 =	simm.s32 @!p2 $0x0  }
0x1d: {  	s5 =	simm.s32 @p1 $0x1;
	p0 =	seq.s32 s7, s2  }
0x1e: {  	s7 =	smul.u32 @!p0 $0xF7A, s2;
	p2 =	seq.s32 @!p0 s5, $0x0  }
0x1f: {  	s9 =	smul.u32 $0xF7A, s1;
	s8 =	simm.s32 @!p0 $0x1BF5;
	p2 =	por !p2, p0  }
0x20: {  	[sflag:s8] =	ssyncset.s32 @!p0 $0xFFFFF086;
	s6 =	sadd.s32 @!p0 s3, s7;
	s7 =	simm.s32 @!p0 $0x108  }
0x21: {  	s3 =	sadd.s32 s3, s9;
	s6 =	sadd.s32 @!p0 $0x88, s6;
	s7 =	simm.s32 @p2 $0x1082  }
0x22: {  	[simem:s7], [sflag:s8] =	dma.local @!p0 [hbm:s6], $0xF7A  }
0x23: {  	s9 =	sor.u32 $0xD0000000, s2;
	s6 =	simm.s32 $0x108;
	_ =	swait.ge @!p0 [sflag:s8], $0x0  }
0x24: {  	s3 =	sadd.s32 $0x88, s3;
	s6 =	simm.s32 @!p1 $0x1082;
	[sflag:s4] =	ssyncset.s32 $0xFFFFF086  }
0x25: {  	[simem:s6], [sflag:s4] =	dma.local [hbm:s3], $0xF7A  }
0x26: {  	[smem:$0x3F98] =	sst s1;
	(tag) =	ssettag s2;
	_ =	strace s9  }
0x27: {  	s1 =	sld [smem:$0x3FA8]  }
0x28: {  	s2 =	sld [smem:$0x3FA9]  }
0x29: {  	s4 =	sld [smem:$0x3FAB]  }
0x2a: {  	p0 =	seq.s32 s5, $0x0;
	s5 =	sld [smem:$0x3FAC]  }
0x2b: {  	s6 =	sld [smem:$0x3FAD]  }
0x2c: {  	s7 =	sld [smem:$0x3FAE]  }
0x2d: {  	s3 =	simm.s32 $0x108;
	s8 =	sld [smem:$0x3FAF]  }
0x2e: {  	s3 =	simm.s32 @!p0 $0x1082;
	s9 =	sld [smem:$0x3FB0]  }
0x2f: {  	lr =	sadd.s32 s0, s3;
	s0 =	sld [smem:$0x3FA7]  }
0x30: {  	s3 =	sld [smem:$0x3FAA]  }
0x31: {  	[smem:$0x3FB3] =	sst s10  }
0x32: {  	s10 =	sld [smem:$0x3FB1];
	_ =	sdelay $0x3  }
0x33: {  	p0 =	seq.s32 s10, $0x1;
	s10 =	sld [smem:$0x3FB3];
	_ =	sdelay $0x3  }
0x34: {  	[smem:$0x3FB3] =	sst s10  }
0x35: {  	s10 =	sld [smem:$0x3FB2];
	_ =	sdelay $0x3  }
0x36: {  	p1 =	seq.s32 s10, $0x1;
	s10 =	sld [smem:$0x3FB3];
	_ =	sdelay $0x3  }
0x37: {  	[smem:$0x3FB3] =	sst s10  }
0x38: {  	s10 =	sld [smem:$0x3FB4]  }
0x39: {  	_ = 	snop;
	(pc) =	sbr.ind lr, $3  }
0x3a: {  	_ = 	snop  }
0x3b: {  	_ = 	snop  }
0x3c: {  	p2 =	seq.s32 s10, $0x1;
	s10 =	sld [smem:$0x3FB3]  }
0x3d: {  	_ =	shalt  }
0x3e: {  	_ =	shalt  }
0x3f: {  	_ =	shalt  }
0x40: {  	_ =	shalt  }
0x41: {  	_ =	shalt  }
0x42: {  	_ =	shalt  }
0x43: {  	_ =	shalt  }
0x44: {  	_ =	shalt  }
0x45: {  	_ =	shalt  }
0x46: {  	_ =	shalt  }
0x47: {  	_ =	shalt  }
0x48: {  	_ =	shalt  }
0x49: {  	_ =	shalt  }
0x4a: {  	_ =	shalt  }
0x4b: {  	_ =	shalt  }
0x4c: {  	_ =	shalt  }
0x4d: {  	_ =	shalt  }
0x4e: {  	_ =	shalt  }
0x4f: {  	_ =	shalt  }
0x50: {  	_ =	shalt  }
0x51: {  	_ =	shalt  }
0x52: {  	_ =	shalt  }
0x53: {  	_ =	shalt  }
0x54: {  	_ =	shalt  }
0x55: {  	_ =	shalt  }
0x56: {  	_ =	shalt  }
0x57: {  	_ =	shalt  }
0x58: {  	_ =	shalt  }
0x59: {  	_ =	shalt  }
0x5a: {  	_ =	shalt  }
0x5b: {  	_ =	shalt  }
0x5c: {  	_ =	shalt  }
0x5d: {  	_ =	shalt  }
0x5e: {  	_ =	shalt  }
0x5f: {  	_ =	shalt  }
0x60: {  	_ =	shalt  }
0x61: {  	_ =	shalt  }
0x62: {  	_ =	shalt  }
0x63: {  	_ =	shalt  }
0x64: {  	_ =	shalt  }
0x65: {  	_ =	shalt  }
0x66: {  	_ =	shalt  }
0x67: {  	_ =	shalt  }
0x68: {  	_ =	shalt  }
0x69: {  	_ =	shalt  }
0x6a: {  	_ =	shalt  }
0x6b: {  	_ =	shalt  }
0x6c: {  	_ =	shalt  }
0x6d: {  	_ =	shalt  }
0x6e: {  	_ =	shalt  }
0x6f: {  	_ =	shalt  }
0x70: {  	_ =	shalt  }
0x71: {  	_ =	shalt  }
0x72: {  	_ =	shalt  }
0x73: {  	_ =	shalt  }
0x74: {  	_ =	shalt  }
0x75: {  	_ =	shalt  }
0x76: {  	_ =	shalt  }
0x77: {  	_ =	shalt  }
0x78: {  	_ =	shalt  }
0x79: {  	_ =	shalt  }
0x7a: {  	_ =	shalt  }
0x7b: {  	_ =	shalt  }
0x7c: {  	_ =	shalt  }
0x7d: {  	_ =	shalt  }
0x7e: {  	_ =	shalt  }
0x7f: {  	_ =	shalt  }
0x80: {  	_ =	shalt  }
0x81: {  	_ =	shalt  }
0x82: {  	_ =	shalt  }
0x83: {  	_ =	shalt  }
0x84: {  	_ =	shalt  }
0x85: {  	_ =	shalt  }
0x86: {  	_ =	shalt  }
0x87: {  	_ =	shalt  }
.Lfunc_end0:
.L_simem_size_0:
called_computation.1_lowered:
.L_overlay_start_0:
0x88: {  	s2 =	sld [smem:$0x3FD9]  }
0x89: {  	s3 =	sld [smem:$0x3FFE];
	_ =	sdelay $0x1  }
0x8a: {  	s1 =	srdreg.scid  }
0x8b: {  	s0 =	sand.u32 $0x1, s1  }
0x8c: {  	s14 =	sshll.u32 s0, $0xA;
	s2 =	sadd.s32 s3, s2  }
0x8d: {  	s2 =	sadd.s32 s2, s14  }
0x8e: {  	[smem:$0x3FBF] =	sst s2  }
0x8f: {  	_ = 	snop  }
0x90: {  	s2 =	sld [smem:$0x3FD0];
	_ =	sdelay $0x2  }
0x91: {  	s15 =	simm.s32 $0xA;
	s4 =	simm.s32 $0x10  }
0x92: {  	[smem:s4], [sflag:s15] =	dma.local [hbm:s2], $0x1  }
0x93: {  	_ =	swait.eq [sflag:s15], $0x1  }
0x94: {  	[sflag:s15] =	ssyncset.done $0x0  }
0x95: {  	[sflag:s15] =	ssyncadd.s32 $0xFFFFFFFF  }
0x96: {  	s16 =	sld [smem:$0x10];
	(tm) =	ssettm $0x1  }
0x97: {  	s17 =	sld [smem:$0x3FFB];
	_ =	sdelay $0x3  }
0x98: {  	_ =	strace s17  }
0x99: {  	s3 =	sld [smem:$0x3FFC];
	_ =	sdelay $0x3  }
0x9a: {  	_ =	strace s3  }
0x9b: {  	s3 =	sld [smem:$0x3FFD];
	_ =	sdelay $0x3  }
0x9c: {  	_ =	strace s3  }
0x9d: {  	_ =	strace $0x8FFFFFFF  }
0x9e: {  	s18 =	sld [smem:$0x3FDB];
	_ =	sdelay $0x1  }
0x9f: {  	s19 =	simm.s32 $_scs_section_size  }
0xa0: {  	s5 =	simm.s32 $_size__tile_overlayer_lowered;
	s6 =	simm.s32 $_tile_overlayer_lowered  }
0xa1: {  	s22 =	simm.s32 $0x1BFF;
	s21 =	sshll.u32 s6, $0x1;
	s3 =	sadd.s32 s19, s18  }
0xa2: {  	s7 =	simm.s32 $0x0;
	s20 =	sshll.u32 s5, $0x1;
	s5 =	sadd.s32 s21, s3  }
0xa3: {  	[timem:s7], [sflag:s22] =	dma.local [hbm:s5], s20  }
0xa4: {  	_ =	swait.ge [sflag:s22], s20  }
0xa5: {  	s4 =	ssub.s32 $0x0, s20;
	[sflag:s22] =	ssyncset.done $0x0  }
0xa6: {  	[sflag:s22] =	ssyncadd.s32 s4;
	_ =	sdelay $0x1  }
0xa7: {  	s23 =	simm.s32 $0x1B8B  }
0xa8: {  	_ =	swait.ge [sflag:s23], $0x1  }
0xa9: {  	[sflag:s23] =	ssyncset.done $0x0  }
0xaa: {  	s25 =	simm.s32 $0x1B8E;
	s24 =	sld [smem:$0x3FFE];
	[sflag:s23] =	ssyncadd.s32 $0xFFFFFFFF  }
0xab: {  	s26 =	simm.s32 $execute0_lowered;
	[smem:$0x3FD2] =	sst s25  }
0xac: {  	s5 =	sshll.u32 s26, $0x1;
	_ =	strace $0x80000049;
	[dreg:$0x1] =	wrdreg $0xFFFFFFFF  }
0xad: {  	s28 =	simm.s32 $_size_execute0_lowered;
	s3 =	sadd.s32 s3, s5;
	[dreg:$0x0] =	wrdreg $0x0  }
0xae: {  	s5 =	sshll.u32 s28, $0x1;
	[dreg:$0x2] =	wrdreg s3  }
0xaf: {  	[dreg:$0x3] =	wrdreg s5  }
0xb0: {  	[dreg:$0x4] =	wrdreg $0xC0  }
0xb1: {  	_ =	task [dreg:s7], $0x5FFFF  }
0xb2: {  	[dreg:$0x1] =	wrdreg $0xFFFFFFFF  }
0xb3: {  	[dreg:$0x0] =	wrdreg $0x60  }
0xb4: {  	[dreg:$0x2] =	wrdreg s24  }
0xb5: {  	[dreg:$0x3] =	wrdreg s16  }
0xb6: {  	[dreg:$0x4] =	wrdreg $0xA8000  }
0xb7: {  	[dreg:$0x5] =	wrdreg $0x9  }
0xb8: {  	_ =	task.clear_ibuf [dreg:s7], $0x6FFFF;
	_ =	strace $0x90000049  }
0xb9: {  	s29 =	simm.s32 $0x9;
	_ =	strace $0x8000004B  }
0xba: {  	_ =	swait.ge [sflag:s29], $0x1  }
0xbb: {  	[sflag:s29] =	ssyncadd.s32 $0xFFFFFFFF  }
0xbc: {  	_ =	strace $0x9000004B  }
0xbd: {  	_ =	sfence  }
0xbe: {  	s30 =	sld [smem:$0x0];
	_ =	sdelay $0x2  }
0xbf: {  	s31 =	sshll.u32 s1, $0xD;
	s1 =	sshrl.u32 s1, $0x2  }
0xc0: {  	s3 =	sand.u32 $0x4000, s31;
	s1 =	sadd.s32 s1, s30  }
0xc1: {  	s0 =	sor.u32 s3, s0;
	s1 =	sshll.u32 s1, $0x11  }
0xc2: {  	s0 =	sor.u32 s1, s0  }
0xc3: {  	s0 =	sadd.s32 $0x8F2B, s0  }
0xc4: {  	[sflag:s0] =	ssyncadd.remote.s32 $0x1  }
0xc5: {  	_ =	sfence.sel $0xFFFF  }
0xc6: {  	[dreg:$0x0] =	wrdreg $0xFFFFFFFF;
	(pc) =	sbr.abs _section_cstart, $3  }
0xc7: {  	[dreg:$0x1] =	wrdreg $0xFFFFFFFF  }
0xc8: {  	_ =	task.clear_ibuf [dreg:s7], $0x2FFFF;
	_ =	strace $0x9FFFFFFF  }
0xc9: {  	(tm) =	ssettm $0x7FFFFFFF  }
tec
execute0_lowered:
.L_overlay_start_1:
0x0: {  	(tag) =	ssettag $0x1  }
0x1: {  	s4 =	rddreg [dreg:$0x0]  }
0x2: {  	s6 =	rddreg [dreg:$0x1]  }
0x3: {  	s1 =	rddreg [dreg:$0x2]  }
0x4: {  	s0 =	rddreg [dreg:$0x3];
	s2 =	simm.s32 $0x0;
	s3 =	srdreg.scid  }
0x5: {  	s12 =	stileid.u32;
	s17 =	simm.s32 $0x8000;
	s18 =	simm.s32 $0x1  }
0x6: {  	s19 =	simm.s32 $0x0;
	[smem:$0x7FF] =	sst s2;
	s5 =	sand.u32 $0x1, s3  }
0x7: {  	s8 =	sshll.u32 s12, $0xB;
	s3 =	sadd.s32 $0x23A00, s4;
	s23 =	smul.u32 $0x4E000, s12  }
0x8: {  	s10 =	smul.u32 $0x13800, s12;
	s11 =	sadd.s32 $0x4AC00, s4;
	s28 =	sshll.u32 s12, $0x6  }
0x9: {  	s15 =	sadd.s32 $0x138000, s1;
	p0 =	sne.s32 s12, $0x0;
	_ =	strace $0x8000004A  }
0xa: {  	s7 =	sshll.u32 s5, $0xF;
	s24 =	ssub.s32 $0x2, s5;
	s29 =	smul.u32 $0x138800, s5  }
0xb: {  	s5 =	sor.u32 $0x1C02, s28;
	s7 =	sor.u32 s8, s7;
	s25 =	sshrl.u32 s24, $0x1  }
0xc: {  	s8 =	sshrl.u32 s23, $0x2;
	s26 =	sshrl.u32 s10, $0x3;
	s9 =	sadd.s32 s7, s4  }
0xd: {  	s13 =	ssub.s32 s24, s25;
	s14 =	sadd.s32 s8, s1;
	s4 =	sadd.s32 s6, s26  }
0xe: {  	s6 =	sadd.s32 $0x27000, s6;
	s10 =	sadd.s32 s10, s29;
	s16 =	sshrl.u32 s29, $0x3  }
0xf: {  	s7 =	sadd.s32 $0x3A00, s9;
	s8 =	sadd.s32 $0x13A00, s9;
	s30 =	sshrl.u32 s10, $0x3  }
0x10: {  	s31 =	sadd.s32 s11, s16;
	s12 =	sshrl.u32 s14, $0x3;
	s14 =	sshrl.u32 @!p0 s15, $0x3  }
0x11: {  	s15 =	simm.s32 $0x4000;
	s16 =	simm.s32 $0x50;
	s9 =	sadd.s32 s11, s30  }
0x12: {  	s10 =	sadd.s32 $0x27000, s31;
	s11 =	smax.u32 s13, $0x1;
	s13 =	simm.s32 $0x2  }
.LBB2_1:
0x13: {  	[spmem:s12], [sflag:s5] =	dma.local [hbm:s4], $0x2700  }
0x14: {  	_ =	swait.ge [sflag:s13], $0x2700  }
0x15: {  	[sflag:s13] =	ssyncset.done $0x0  }
0x16: {  	s20 =	simm.s32 @!p0 $0x2;
	[sflag:s13] =	ssyncadd.s32 $0xFFFFD900  }
0x17: {  	[spmem:s14], [sflag:s5] =	dma.local @!p0 [hbm:s6], $0x100  }
0x18: {  	_ =	swait.ge @!p0 [sflag:s20], $0x100  }
0x19: {  	[sflag:s20] =	ssyncset.done @!p0 $0x0  }
0x1a: {  	[sflag:s20] =	ssyncadd.s32 @!p0 $0xFFFFFF00  }
0x1b: {  	[bflag:$0x0] =	sbarrier.arrive $0xFFFF  }
0x1c: {  	[tilespmem:s2], [sflag:$0x2] =	stream.linear.gather [hbm4b:s7+s2], $0x3E80, $0x38;
	[tilespmem:$0x1E080] =	vst v63  }
0x1d: {  	_ =	swait.ge [sflag:s13], $0x3E80  }
0x1e: {  	[sflag:s13] =	ssyncset.done $0x0  }
0x1f: {  	[sflag:s13] =	ssyncadd.s32 $0xFFFFC180  }
0x20: {  	[tilespmem:s15], [sflag:$0x2] =	stream.linear.gather [hbm4b:s8+s2], $0x3E80, $0x38;
	[tilespmem:$0x1E080] =	vst v63  }
0x21: {  	_ =	swait.ge [sflag:s13], $0x3E80  }
0x22: {  	[sflag:s13] =	ssyncset.done $0x0  }
0x23: {  	s30 =	simm.s32 $0x0;
	[sflag:s13] =	ssyncadd.s32 $0xFFFFC180  }
0x24: {  	[tilespmem:s17], [sflag:$0x1] =	stream.indirect.gather [hbm4b:s3+s16], $0x80, s30, s16, $0xb8;
	[tilespmem:$0x1E080] =	vst v63  }
0x25: {  	_ =	swait.ge [sflag:s18], $0x2800  }
0x26: {  	[sflag:s18] =	ssyncset.done $0x0  }
0x27: {  	s31 =	simm.s32 $0x4000;
	[sflag:s18] =	ssyncadd.s32 $0xFFFFD800  }
0x28: {  	[spmem:s1] =	stream.indirect.scatter.add.f32 [tilespmem:s17], [sflag:$0x2], $0x80, s31, s16, $0xb8;
	[tilespmem:$0x1E080] =	vst v63  }
0x29: {  	_ =	swait.ge [sflag:s13], $0x2800  }
0x2a: {  	s21 =	simm.s32 $0x400;
	s20 =	simm.s32 $0x200;
	[sflag:s13] =	ssyncset.done $0x0  }
.LBB2_2:
0x2b: {  	s22 =	sshra.s32 s20, $0x2  }
0x2c: {  	[sflag:s13] =	ssyncadd.s32 $0xFFFFD800;
	s20 =	smov.u32 s21;
	s23 =	sadd.s32 $0x200, s21  }
0x2d: {  	[tilespmem:s17], [sflag:$0x1] =	stream.indirect.gather [hbm4b:s3+s16], $0x80, s22, s16, $0xb8;
	[tilespmem:$0x1E080] =	vst v63  }
0x2e: {  	p1 =	sne.s32 s21, $0xF800;
	_ =	swait.ge [sflag:s18], $0x2800  }
.Ltmp0:
0x2f: {  	[sflag:s18] =	ssyncset.done $0x0;
	(pc) =	sbr.rel @p1 .LBB2_2-.Ltmp0, $4  }
0x30: {  	s21 =	sadd.s32 $0x4000, s22;
	[sflag:s18] =	ssyncadd.s32 $0xFFFFD800  }
0x31: {  	[spmem:s1] =	stream.indirect.scatter.add.f32 [tilespmem:s17], [sflag:$0x2], $0x80, s21, s16, $0xb8;
	[tilespmem:$0x1E080] =	vst v63  }
0x32: {  	_ =	swait.ge [sflag:s13], $0x2800  }
0x33: {  	s21 =	smov.u32 s23;
	[sflag:s13] =	ssyncset.done $0x0  }
0x34: {  	s20 =	sshra.s32 s20, $0x2;
	[sflag:s13] =	ssyncadd.s32 $0xFFFFD800  }
0x35: {  	[tilespmem:s17], [sflag:$0x1] =	stream.indirect.gather [hbm4b:s3+s16], $0x80, s20, s16, $0xb8;
	[tilespmem:$0x1E080] =	vst v63  }
0x36: {  	_ =	swait.ge [sflag:s18], $0x2800  }
0x37: {  	[sflag:s18] =	ssyncset.done $0x0  }
0x38: {  	s20 =	sadd.s32 $0x4000, s20;
	[sflag:s18] =	ssyncadd.s32 $0xFFFFD800  }
0x39: {  	[spmem:s1] =	stream.indirect.scatter.add.f32 [tilespmem:s17], [sflag:$0x2], $0x80, s20, s16, $0xb8;
	[tilespmem:$0x1E080] =	vst v63  }
0x3a: {  	_ =	swait.ge [sflag:s13], $0x2800  }
0x3b: {  	[sflag:s13] =	ssyncset.done $0x0  }
0x3c: {  	[sflag:s13] =	ssyncadd.s32 $0xFFFFD800  }
0x3d: {  	[bflag:$0x0] =	sbarrier.arrive $0xFFFF  }
0x3e: {  	[hbm:s9], [sflag:s5] =	dma.local [spmem:s12], $0x2700  }
0x3f: {  	s19 =	sadd.s32 $0x1, s19;
	_ =	swait.ge [sflag:s13], $0x2700  }
0x40: {  	p1 =	sne.s32 s19, s11;
	[sflag:s13] =	ssyncset.done $0x0  }
.Ltmp1:
0x41: {  	s20 =	simm.s32 @!p0 $0x2;
	[sflag:s13] =	ssyncadd.s32 $0xFFFFD900;
	(pc) =	sbr.rel @p1 .LBB2_1-.Ltmp1, $4  }
0x42: {  	[hbm:s10], [sflag:s5] =	dma.local @!p0 [spmem:s14], $0x100  }
0x43: {  	_ =	swait.ge @!p0 [sflag:s20], $0x100  }
0x44: {  	[sflag:s20] =	ssyncset.done @!p0 $0x0  }
0x45: {  	[sflag:s20] =	ssyncadd.s32 @!p0 $0xFFFFFF00  }
0x46: {  	_ =	sfence.sel $0x180000  }
0x47: {  	[bflag:$0x0] =	sbarrier.arrive $0xFFFF  }
0x48: {  	_ =	strace $0x9000004A  }
0x49: {  	s0 =	sadd.s32 @!p0 $0x100000, s0;
	[bflag:$0x2] =	sbarrier.arrive $0xFFFF  }
0x4a: {  	[sflag:s0] =	ssyncadd.tile.s32 @!p0 $0x1;
	_ =	shalt  }
.Lfunc_end2:
_tile_overlayer_lowered:
.L_overlay_start_2:
0x4b: {  	(tag) =	ssettag $0x2  }
0x4c: {  	s0 =	rddreg [dreg:$0x0];
	s2 =	stileid.u32  }
0x4d: {  	s1 =	rddreg [dreg:$0x1];
	p0 =	sne.s32 s2, $0x0  }
0x4e: {  	s3 =	rddreg [dreg:$0x2];
	[bflag:$0x3] =	sbarrier.arrive $0xFFFF;
	s2 =	simm.s32 @!p0 $0x1C02  }
0x4f: {  	[timem:s3], [sflag:s2] =	dma.local @!p0 [hbm:s0], s1  }
0x50: {  	s0 =	simm.s32 @!p0 $0x2  }
0x51: {  	_ =	swait.ge @!p0 [sflag:s0], s1  }
0x52: {  	s1 =	ssub.s32 @!p0 $0x0, s1;
	[sflag:s0] =	ssyncset.done @!p0 $0x0  }
0x53: {  	[sflag:s0] =	ssyncadd.s32 @!p0 s1  }
0x54: {  	[bflag:$0x3] =	sbarrier.arrive $0xFFFF  }
0x55: {  	_ =	shalt  }

// kernel: kernel.14.cloned.1.call-start
scs
__scs_entry_jumppad:
0x0: {  	(pc) =	sbr.rel $0x88, $3  }
0x1: {  	(tag) =	ssettag $0x0;
	lr =	simm.s32 $0x1  }
0x2: {  	[smem:$0x3F98] =	sst lr;
	_ =	strace $0xD0000000  }
0x3: {  	_ = 	snop  }
0x4: {  	_ = 	snop  }
0x5: {  	_ = 	snop  }
0x6: {  	_ = 	snop  }
0x7: {  	_ = 	snop  }
__scs_overlays_trampoline_lowered:
0x8: {  	[smem:$0x3FA7] =	sst s0  }
0x9: {  	[smem:$0x3FA8] =	sst s1  }
0xa: {  	[smem:$0x3FA9] =	sst s2  }
0xb: {  	[smem:$0x3FAA] =	sst s3  }
0xc: {  	[smem:$0x3FAB] =	sst s4  }
0xd: {  	[smem:$0x3FAC] =	sst s5  }
0xe: {  	[smem:$0x3FAD] =	sst s6  }
0xf: {  	[smem:$0x3FAE] =	sst s7  }
0x10: {  	[smem:$0x3FAF] =	sst s8  }
0x11: {  	[smem:$0x3FB0] =	sst s9;
	s0 =	simm.s32 @!p0 $0x0  }
0x12: {  	s1 =	sld [smem:$0x3F96];
	s0 =	simm.s32 @p0 $0x1  }
0x13: {  	[smem:$0x3FB1] =	sst s0;
	s0 =	simm.s32 @!p1 $0x0  }
0x14: {  	s2 =	sld [smem:$0x3F95];
	s0 =	simm.s32 @p1 $0x1  }
0x15: {  	[smem:$0x3FB2] =	sst s0;
	s0 =	simm.s32 @!p2 $0x0  }
0x16: {  	s3 =	sld [smem:$0x3FDB];
	s0 =	simm.s32 @p2 $0x1  }
0x17: {  	s4 =	simm.s32 $0x1BF5;
	[smem:$0x3FB4] =	sst s0  }
0x18: {  	s0 =	sld [smem:$0x3F97];
	_ =	swait.ge [sflag:s4], $0x0  }
0x19: {  	s7 =	sld [smem:$0x3F98]  }
0x1a: {  	s8 =	sadd.s32 $0xFFFFE003, lr  }
0x1b: {  	s9 =	sadd.s32 $0xFFFFFEF7, lr;
	s5 =	simm.s32 $0xFFFFFFFF;
	p2 =	slt.u32 s8, $0xFFFFF086  }
0x1c: {  	p1 =	slt.u32 s9, $0xF7A;
	s5 =	simm.s32 @!p2 $0x0  }
0x1d: {  	s5 =	simm.s32 @p1 $0x1;
	p0 =	seq.s32 s7, s2  }
0x1e: {  	s7 =	smul.u32 @!p0 $0xF7A, s2;
	p2 =	seq.s32 @!p0 s5, $0x0  }
0x1f: {  	s9 =	smul.u32 $0xF7A, s1;
	s8 =	simm.s32 @!p0 $0x1BF5;
	p2 =	por !p2, p0  }
0x20: {  	[sflag:s8] =	ssyncset.s32 @!p0 $0xFFFFF086;
	s6 =	sadd.s32 @!p0 s3, s7;
	s7 =	simm.s32 @!p0 $0x108  }
0x21: {  	s3 =	sadd.s32 s3, s9;
	s6 =	sadd.s32 @!p0 $0x88, s6;
	s7 =	simm.s32 @p2 $0x1082  }
0x22: {  	[simem:s7], [sflag:s8] =	dma.local @!p0 [hbm:s6], $0xF7A  }
0x23: {  	s9 =	sor.u32 $0xD0000000, s2;
	s6 =	simm.s32 $0x108;
	_ =	swait.ge @!p0 [sflag:s8], $0x0  }
0x24: {  	s3 =	sadd.s32 $0x88, s3;
	s6 =	simm.s32 @!p1 $0x1082;
	[sflag:s4] =	ssyncset.s32 $0xFFFFF086  }
0x25: {  	[simem:s6], [sflag:s4] =	dma.local [hbm:s3], $0xF7A  }
0x26: {  	[smem:$0x3F98] =	sst s1;
	(tag) =	ssettag s2;
	_ =	strace s9  }
0x27: {  	s1 =	sld [smem:$0x3FA8]  }
0x28: {  	s2 =	sld [smem:$0x3FA9]  }
0x29: {  	s4 =	sld [smem:$0x3FAB]  }
0x2a: {  	p0 =	seq.s32 s5, $0x0;
	s5 =	sld [smem:$0x3FAC]  }
0x2b: {  	s6 =	sld [smem:$0x3FAD]  }
0x2c: {  	s7 =	sld [smem:$0x3FAE]  }
0x2d: {  	s3 =	simm.s32 $0x108;
	s8 =	sld [smem:$0x3FAF]  }
0x2e: {  	s3 =	simm.s32 @!p0 $0x1082;
	s9 =	sld [smem:$0x3FB0]  }
0x2f: {  	lr =	sadd.s32 s0, s3;
	s0 =	sld [smem:$0x3FA7]  }
0x30: {  	s3 =	sld [smem:$0x3FAA]  }
0x31: {  	[smem:$0x3FB3] =	sst s10  }
0x32: {  	s10 =	sld [smem:$0x3FB1];
	_ =	sdelay $0x3  }
0x33: {  	p0 =	seq.s32 s10, $0x1;
	s10 =	sld [smem:$0x3FB3];
	_ =	sdelay $0x3  }
0x34: {  	[smem:$0x3FB3] =	sst s10  }
0x35: {  	s10 =	sld [smem:$0x3FB2];
	_ =	sdelay $0x3  }
0x36: {  	p1 =	seq.s32 s10, $0x1;
	s10 =	sld [smem:$0x3FB3];
	_ =	sdelay $0x3  }
0x37: {  	[smem:$0x3FB3] =	sst s10  }
0x38: {  	s10 =	sld [smem:$0x3FB4]  }
0x39: {  	_ = 	snop;
	(pc) =	sbr.ind lr, $3  }
0x3a: {  	_ = 	snop  }
0x3b: {  	_ = 	snop  }
0x3c: {  	p2 =	seq.s32 s10, $0x1;
	s10 =	sld [smem:$0x3FB3]  }
0x3d: {  	_ =	shalt  }
0x3e: {  	_ =	shalt  }
0x3f: {  	_ =	shalt  }
0x40: {  	_ =	shalt  }
0x41: {  	_ =	shalt  }
0x42: {  	_ =	shalt  }
0x43: {  	_ =	shalt  }
0x44: {  	_ =	shalt  }
0x45: {  	_ =	shalt  }
0x46: {  	_ =	shalt  }
0x47: {  	_ =	shalt  }
0x48: {  	_ =	shalt  }
0x49: {  	_ =	shalt  }
0x4a: {  	_ =	shalt  }
0x4b: {  	_ =	shalt  }
0x4c: {  	_ =	shalt  }
0x4d: {  	_ =	shalt  }
0x4e: {  	_ =	shalt  }
0x4f: {  	_ =	shalt  }
0x50: {  	_ =	shalt  }
0x51: {  	_ =	shalt  }
0x52: {  	_ =	shalt  }
0x53: {  	_ =	shalt  }
0x54: {  	_ =	shalt  }
0x55: {  	_ =	shalt  }
0x56: {  	_ =	shalt  }
0x57: {  	_ =	shalt  }
0x58: {  	_ =	shalt  }
0x59: {  	_ =	shalt  }
0x5a: {  	_ =	shalt  }
0x5b: {  	_ =	shalt  }
0x5c: {  	_ =	shalt  }
0x5d: {  	_ =	shalt  }
0x5e: {  	_ =	shalt  }
0x5f: {  	_ =	shalt  }
0x60: {  	_ =	shalt  }
0x61: {  	_ =	shalt  }
0x62: {  	_ =	shalt  }
0x63: {  	_ =	shalt  }
0x64: {  	_ =	shalt  }
0x65: {  	_ =	shalt  }
0x66: {  	_ =	shalt  }
0x67: {  	_ =	shalt  }
0x68: {  	_ =	shalt  }
0x69: {  	_ =	shalt  }
0x6a: {  	_ =	shalt  }
0x6b: {  	_ =	shalt  }
0x6c: {  	_ =	shalt  }
0x6d: {  	_ =	shalt  }
0x6e: {  	_ =	shalt  }
0x6f: {  	_ =	shalt  }
0x70: {  	_ =	shalt  }
0x71: {  	_ =	shalt  }
0x72: {  	_ =	shalt  }
0x73: {  	_ =	shalt  }
0x74: {  	_ =	shalt  }
0x75: {  	_ =	shalt  }
0x76: {  	_ =	shalt  }
0x77: {  	_ =	shalt  }
0x78: {  	_ =	shalt  }
0x79: {  	_ =	shalt  }
0x7a: {  	_ =	shalt  }
0x7b: {  	_ =	shalt  }
0x7c: {  	_ =	shalt  }
0x7d: {  	_ =	shalt  }
0x7e: {  	_ =	shalt  }
0x7f: {  	_ =	shalt  }
0x80: {  	_ =	shalt  }
0x81: {  	_ =	shalt  }
0x82: {  	_ =	shalt  }
0x83: {  	_ =	shalt  }
0x84: {  	_ =	shalt  }
0x85: {  	_ =	shalt  }
0x86: {  	_ =	shalt  }
0x87: {  	_ =	shalt  }
.Lfunc_end0:
.L_simem_size_0:
called_computation.2_lowered:
.L_overlay_start_0:
0x88: {  	s2 =	sld [smem:$0x3FD9]  }
0x89: {  	s3 =	sld [smem:$0x3FFE];
	_ =	sdelay $0x1  }
0x8a: {  	s1 =	srdreg.scid  }
0x8b: {  	s0 =	sand.u32 $0x1, s1  }
0x8c: {  	s14 =	sshll.u32 s0, $0xA;
	s2 =	sadd.s32 s3, s2  }
0x8d: {  	s2 =	sadd.s32 s2, s14  }
0x8e: {  	[smem:$0x3FBF] =	sst s2  }
0x8f: {  	_ = 	snop  }
0x90: {  	s2 =	sld [smem:$0x3FD0];
	_ =	sdelay $0x2  }
0x91: {  	s15 =	simm.s32 $0xA;
	s4 =	simm.s32 $0x10  }
0x92: {  	[smem:s4], [sflag:s15] =	dma.local [hbm:s2], $0x1  }
0x93: {  	_ =	swait.eq [sflag:s15], $0x1  }
0x94: {  	[sflag:s15] =	ssyncset.done $0x0  }
0x95: {  	[sflag:s15] =	ssyncadd.s32 $0xFFFFFFFF  }
0x96: {  	s16 =	sld [smem:$0x10];
	(tm) =	ssettm $0x1  }
0x97: {  	s17 =	sld [smem:$0x3FFB];
	_ =	sdelay $0x3  }
0x98: {  	_ =	strace s17  }
0x99: {  	s3 =	sld [smem:$0x3FFC];
	_ =	sdelay $0x3  }
0x9a: {  	_ =	strace s3  }
0x9b: {  	s3 =	sld [smem:$0x3FFD];
	_ =	sdelay $0x3  }
0x9c: {  	_ =	strace s3  }
0x9d: {  	_ =	strace $0x8FFFFFFF  }
0x9e: {  	s18 =	sld [smem:$0x3FDB];
	_ =	sdelay $0x1  }
0x9f: {  	s19 =	simm.s32 $_scs_section_size  }
0xa0: {  	s5 =	simm.s32 $_size__tile_overlayer_lowered;
	s6 =	simm.s32 $_tile_overlayer_lowered  }
0xa1: {  	s22 =	simm.s32 $0x1BFF;
	s21 =	sshll.u32 s6, $0x1;
	s3 =	sadd.s32 s19, s18  }
0xa2: {  	s7 =	simm.s32 $0x0;
	s20 =	sshll.u32 s5, $0x1;
	s5 =	sadd.s32 s21, s3  }
0xa3: {  	[timem:s7], [sflag:s22] =	dma.local [hbm:s5], s20  }
0xa4: {  	_ =	swait.ge [sflag:s22], s20  }
0xa5: {  	s4 =	ssub.s32 $0x0, s20;
	[sflag:s22] =	ssyncset.done $0x0  }
0xa6: {  	[sflag:s22] =	ssyncadd.s32 s4;
	_ =	sdelay $0x1  }
0xa7: {  	s23 =	simm.s32 $0x1B8B  }
0xa8: {  	_ =	swait.ge [sflag:s23], $0x1  }
0xa9: {  	[sflag:s23] =	ssyncset.done $0x0  }
0xaa: {  	s25 =	simm.s32 $0x1B8E;
	s24 =	sld [smem:$0x3FFE];
	[sflag:s23] =	ssyncadd.s32 $0xFFFFFFFF  }
0xab: {  	s26 =	simm.s32 $execute0_lowered;
	[smem:$0x3FD2] =	sst s25  }
0xac: {  	s5 =	sshll.u32 s26, $0x1;
	_ =	strace $0x8000004C;
	[dreg:$0x1] =	wrdreg $0xFFFFFFFF  }
0xad: {  	s28 =	simm.s32 $_size_execute0_lowered;
	s3 =	sadd.s32 s3, s5;
	[dreg:$0x0] =	wrdreg $0x0  }
0xae: {  	s5 =	sshll.u32 s28, $0x1;
	[dreg:$0x2] =	wrdreg s3  }
0xaf: {  	[dreg:$0x3] =	wrdreg s5  }
0xb0: {  	[dreg:$0x4] =	wrdreg $0xC0  }
0xb1: {  	_ =	task [dreg:s7], $0x5FFFF  }
0xb2: {  	[dreg:$0x1] =	wrdreg $0xFFFFFFFF  }
0xb3: {  	[dreg:$0x0] =	wrdreg $0x60  }
0xb4: {  	[dreg:$0x2] =	wrdreg s24  }
0xb5: {  	[dreg:$0x3] =	wrdreg s16  }
0xb6: {  	[dreg:$0x4] =	wrdreg $0xA8000  }
0xb7: {  	[dreg:$0x5] =	wrdreg $0x9  }
0xb8: {  	_ =	task.clear_ibuf [dreg:s7], $0x6FFFF;
	_ =	strace $0x9000004C  }
0xb9: {  	s29 =	simm.s32 $0x9;
	_ =	strace $0x8000004E  }
0xba: {  	_ =	swait.ge [sflag:s29], $0x1  }
0xbb: {  	[sflag:s29] =	ssyncadd.s32 $0xFFFFFFFF  }
0xbc: {  	_ =	strace $0x9000004E  }
0xbd: {  	_ =	sfence  }
0xbe: {  	s30 =	sld [smem:$0x0];
	_ =	sdelay $0x2  }
0xbf: {  	s31 =	sshll.u32 s1, $0xD;
	s1 =	sshrl.u32 s1, $0x2  }
0xc0: {  	s3 =	sand.u32 $0x4000, s31;
	s1 =	sadd.s32 s1, s30  }
0xc1: {  	s0 =	sor.u32 s3, s0;
	s1 =	sshll.u32 s1, $0x11  }
0xc2: {  	s0 =	sor.u32 s1, s0  }
0xc3: {  	s0 =	sadd.s32 $0x8F2B, s0  }
0xc4: {  	[sflag:s0] =	ssyncadd.remote.s32 $0x1  }
0xc5: {  	_ =	sfence.sel $0xFFFF  }
0xc6: {  	[dreg:$0x0] =	wrdreg $0xFFFFFFFF;
	(pc) =	sbr.abs _section_cstart, $3  }
0xc7: {  	[dreg:$0x1] =	wrdreg $0xFFFFFFFF  }
0xc8: {  	_ =	task.clear_ibuf [dreg:s7], $0x2FFFF;
	_ =	strace $0x9FFFFFFF  }
0xc9: {  	(tm) =	ssettm $0x7FFFFFFF  }
tec
execute0_lowered:
.L_overlay_start_1:
0x0: {  	(tag) =	ssettag $0x1  }
0x1: {  	s4 =	rddreg [dreg:$0x0]  }
0x2: {  	s6 =	rddreg [dreg:$0x1]  }
0x3: {  	s1 =	rddreg [dreg:$0x2]  }
0x4: {  	s0 =	rddreg [dreg:$0x3];
	s2 =	simm.s32 $0x0;
	s3 =	srdreg.scid  }
0x5: {  	s12 =	stileid.u32;
	s17 =	simm.s32 $0x8000;
	s18 =	simm.s32 $0x1  }
0x6: {  	s19 =	simm.s32 $0x0;
	[smem:$0x7FF] =	sst s2;
	s5 =	sand.u32 $0x1, s3  }
0x7: {  	s8 =	sshll.u32 s12, $0xB;
	s3 =	sadd.s32 $0x23A00, s4;
	s23 =	smul.u32 $0x4E000, s12  }
0x8: {  	s10 =	smul.u32 $0x13800, s12;
	s11 =	sadd.s32 $0x4AC00, s4;
	s28 =	sshll.u32 s12, $0x6  }
0x9: {  	s15 =	sadd.s32 $0x138000, s1;
	p0 =	sne.s32 s12, $0x0;
	_ =	strace $0x8000004D  }
0xa: {  	s7 =	sshll.u32 s5, $0xF;
	s24 =	ssub.s32 $0x2, s5;
	s29 =	smul.u32 $0x138800, s5  }
0xb: {  	s5 =	sor.u32 $0x1C02, s28;
	s7 =	sor.u32 s8, s7;
	s25 =	sshrl.u32 s24, $0x1  }
0xc: {  	s8 =	sshrl.u32 s23, $0x2;
	s26 =	sshrl.u32 s10, $0x3;
	s9 =	sadd.s32 s7, s4  }
0xd: {  	s13 =	ssub.s32 s24, s25;
	s14 =	sadd.s32 s8, s1;
	s4 =	sadd.s32 s6, s26  }
0xe: {  	s6 =	sadd.s32 $0x27000, s6;
	s10 =	sadd.s32 s10, s29;
	s16 =	sshrl.u32 s29, $0x3  }
0xf: {  	s7 =	sadd.s32 $0x3A00, s9;
	s8 =	sadd.s32 $0x13A00, s9;
	s30 =	sshrl.u32 s10, $0x3  }
0x10: {  	s31 =	sadd.s32 s11, s16;
	s12 =	sshrl.u32 s14, $0x3;
	s14 =	sshrl.u32 @!p0 s15, $0x3  }
0x11: {  	s15 =	simm.s32 $0x4000;
	s16 =	simm.s32 $0x50;
	s9 =	sadd.s32 s11, s30  }
0x12: {  	s10 =	sadd.s32 $0x27000, s31;
	s11 =	smax.u32 s13, $0x1;
	s13 =	simm.s32 $0x2  }
.LBB2_1:
0x13: {  	[spmem:s12], [sflag:s5] =	dma.local [hbm:s4], $0x2700  }
0x14: {  	_ =	swait.ge [sflag:s13], $0x2700  }
0x15: {  	[sflag:s13] =	ssyncset.done $0x0  }
0x16: {  	s20 =	simm.s32 @!p0 $0x2;
	[sflag:s13] =	ssyncadd.s32 $0xFFFFD900  }
0x17: {  	[spmem:s14], [sflag:s5] =	dma.local @!p0 [hbm:s6], $0x100  }
0x18: {  	_ =	swait.ge @!p0 [sflag:s20], $0x100  }
0x19: {  	[sflag:s20] =	ssyncset.done @!p0 $0x0  }
0x1a: {  	[sflag:s20] =	ssyncadd.s32 @!p0 $0xFFFFFF00  }
0x1b: {  	[bflag:$0x0] =	sbarrier.arrive $0xFFFF  }
0x1c: {  	[tilespmem:s2], [sflag:$0x2] =	stream.linear.gather [hbm4b:s7+s2], $0x3E80, $0x38;
	[tilespmem:$0x1E080] =	vst v63  }
0x1d: {  	_ =	swait.ge [sflag:s13], $0x3E80  }
0x1e: {  	[sflag:s13] =	ssyncset.done $0x0  }
0x1f: {  	[sflag:s13] =	ssyncadd.s32 $0xFFFFC180  }
0x20: {  	[tilespmem:s15], [sflag:$0x2] =	stream.linear.gather [hbm4b:s8+s2], $0x3E80, $0x38;
	[tilespmem:$0x1E080] =	vst v63  }
0x21: {  	_ =	swait.ge [sflag:s13], $0x3E80  }
0x22: {  	[sflag:s13] =	ssyncset.done $0x0  }
0x23: {  	s30 =	simm.s32 $0x0;
	[sflag:s13] =	ssyncadd.s32 $0xFFFFC180  }
0x24: {  	[tilespmem:s17], [sflag:$0x1] =	stream.indirect.gather [hbm4b:s3+s16], $0x80, s30, s16, $0xb8;
	[tilespmem:$0x1E080] =	vst v63  }
0x25: {  	_ =	swait.ge [sflag:s18], $0x2800  }
0x26: {  	[sflag:s18] =	ssyncset.done $0x0  }
0x27: {  	s31 =	simm.s32 $0x4000;
	[sflag:s18] =	ssyncadd.s32 $0xFFFFD800  }
0x28: {  	[spmem:s1] =	stream.indirect.scatter.add.f32 [tilespmem:s17], [sflag:$0x2], $0x80, s31, s16, $0xb8;
	[tilespmem:$0x1E080] =	vst v63  }
0x29: {  	_ =	swait.ge [sflag:s13], $0x2800  }
0x2a: {  	s21 =	simm.s32 $0x400;
	s20 =	simm.s32 $0x200;
	[sflag:s13] =	ssyncset.done $0x0  }
.LBB2_2:
0x2b: {  	s22 =	sshra.s32 s20, $0x2  }
0x2c: {  	[sflag:s13] =	ssyncadd.s32 $0xFFFFD800;
	s20 =	smov.u32 s21;
	s23 =	sadd.s32 $0x200, s21  }
0x2d: {  	[tilespmem:s17], [sflag:$0x1] =	stream.indirect.gather [hbm4b:s3+s16], $0x80, s22, s16, $0xb8;
	[tilespmem:$0x1E080] =	vst v63  }
0x2e: {  	p1 =	sne.s32 s21, $0xF800;
	_ =	swait.ge [sflag:s18], $0x2800  }
.Ltmp0:
0x2f: {  	[sflag:s18] =	ssyncset.done $0x0;
	(pc) =	sbr.rel @p1 .LBB2_2-.Ltmp0, $4  }
0x30: {  	s21 =	sadd.s32 $0x4000, s22;
	[sflag:s18] =	ssyncadd.s32 $0xFFFFD800  }
0x31: {  	[spmem:s1] =	stream.indirect.scatter.add.f32 [tilespmem:s17], [sflag:$0x2], $0x80, s21, s16, $0xb8;
	[tilespmem:$0x1E080] =	vst v63  }
0x32: {  	_ =	swait.ge [sflag:s13], $0x2800  }
0x33: {  	s21 =	smov.u32 s23;
	[sflag:s13] =	ssyncset.done $0x0  }
0x34: {  	s20 =	sshra.s32 s20, $0x2;
	[sflag:s13] =	ssyncadd.s32 $0xFFFFD800  }
0x35: {  	[tilespmem:s17], [sflag:$0x1] =	stream.indirect.gather [hbm4b:s3+s16], $0x80, s20, s16, $0xb8;
	[tilespmem:$0x1E080] =	vst v63  }
0x36: {  	_ =	swait.ge [sflag:s18], $0x2800  }
0x37: {  	[sflag:s18] =	ssyncset.done $0x0  }
0x38: {  	s20 =	sadd.s32 $0x4000, s20;
	[sflag:s18] =	ssyncadd.s32 $0xFFFFD800  }
0x39: {  	[spmem:s1] =	stream.indirect.scatter.add.f32 [tilespmem:s17], [sflag:$0x2], $0x80, s20, s16, $0xb8;
	[tilespmem:$0x1E080] =	vst v63  }
0x3a: {  	_ =	swait.ge [sflag:s13], $0x2800  }
0x3b: {  	[sflag:s13] =	ssyncset.done $0x0  }
0x3c: {  	[sflag:s13] =	ssyncadd.s32 $0xFFFFD800  }
0x3d: {  	[bflag:$0x0] =	sbarrier.arrive $0xFFFF  }
0x3e: {  	[hbm:s9], [sflag:s5] =	dma.local [spmem:s12], $0x2700  }
0x3f: {  	s19 =	sadd.s32 $0x1, s19;
	_ =	swait.ge [sflag:s13], $0x2700  }
0x40: {  	p1 =	sne.s32 s19, s11;
	[sflag:s13] =	ssyncset.done $0x0  }
.Ltmp1:
0x41: {  	s20 =	simm.s32 @!p0 $0x2;
	[sflag:s13] =	ssyncadd.s32 $0xFFFFD900;
	(pc) =	sbr.rel @p1 .LBB2_1-.Ltmp1, $4  }
0x42: {  	[hbm:s10], [sflag:s5] =	dma.local @!p0 [spmem:s14], $0x100  }
0x43: {  	_ =	swait.ge @!p0 [sflag:s20], $0x100  }
0x44: {  	[sflag:s20] =	ssyncset.done @!p0 $0x0  }
0x45: {  	[sflag:s20] =	ssyncadd.s32 @!p0 $0xFFFFFF00  }
0x46: {  	_ =	sfence.sel $0x180000  }
0x47: {  	[bflag:$0x0] =	sbarrier.arrive $0xFFFF  }
0x48: {  	_ =	strace $0x9000004D  }
0x49: {  	s0 =	sadd.s32 @!p0 $0x100000, s0;
	[bflag:$0x2] =	sbarrier.arrive $0xFFFF  }
0x4a: {  	[sflag:s0] =	ssyncadd.tile.s32 @!p0 $0x1;
	_ =	shalt  }
.Lfunc_end2:
_tile_overlayer_lowered:
.L_overlay_start_2:
0x4b: {  	(tag) =	ssettag $0x2  }
0x4c: {  	s0 =	rddreg [dreg:$0x0];
	s2 =	stileid.u32  }
0x4d: {  	s1 =	rddreg [dreg:$0x1];
	p0 =	sne.s32 s2, $0x0  }
0x4e: {  	s3 =	rddreg [dreg:$0x2];
	[bflag:$0x3] =	sbarrier.arrive $0xFFFF;
	s2 =	simm.s32 @!p0 $0x1C02  }
0x4f: {  	[timem:s3], [sflag:s2] =	dma.local @!p0 [hbm:s0], s1  }
0x50: {  	s0 =	simm.s32 @!p0 $0x2  }
0x51: {  	_ =	swait.ge @!p0 [sflag:s0], s1  }
0x52: {  	s1 =	ssub.s32 @!p0 $0x0, s1;
	[sflag:s0] =	ssyncset.done @!p0 $0x0  }
0x53: {  	[sflag:s0] =	ssyncadd.s32 @!p0 s1  }
0x54: {  	[bflag:$0x3] =	sbarrier.arrive $0xFFFF  }
0x55: {  	_ =	shalt  }

// kernel: kernel.8.cloned.1.call-start
scs
__scs_entry_jumppad:
0x0: {  	(pc) =	sbr.rel $0x88, $3  }
0x1: {  	(tag) =	ssettag $0x0;
	lr =	simm.s32 $0x1  }
0x2: {  	[smem:$0x3F98] =	sst lr;
	_ =	strace $0xD0000000  }
0x3: {  	_ = 	snop  }
0x4: {  	_ = 	snop  }
0x5: {  	_ = 	snop  }
0x6: {  	_ = 	snop  }
0x7: {  	_ = 	snop  }
__scs_overlays_trampoline_lowered:
0x8: {  	[smem:$0x3FA7] =	sst s0  }
0x9: {  	[smem:$0x3FA8] =	sst s1  }
0xa: {  	[smem:$0x3FA9] =	sst s2  }
0xb: {  	[smem:$0x3FAA] =	sst s3  }
0xc: {  	[smem:$0x3FAB] =	sst s4  }
0xd: {  	[smem:$0x3FAC] =	sst s5  }
0xe: {  	[smem:$0x3FAD] =	sst s6  }
0xf: {  	[smem:$0x3FAE] =	sst s7  }
0x10: {  	[smem:$0x3FAF] =	sst s8  }
0x11: {  	[smem:$0x3FB0] =	sst s9;
	s0 =	simm.s32 @!p0 $0x0  }
0x12: {  	s1 =	sld [smem:$0x3F96];
	s0 =	simm.s32 @p0 $0x1  }
0x13: {  	[smem:$0x3FB1] =	sst s0;
	s0 =	simm.s32 @!p1 $0x0  }
0x14: {  	s2 =	sld [smem:$0x3F95];
	s0 =	simm.s32 @p1 $0x1  }
0x15: {  	[smem:$0x3FB2] =	sst s0;
	s0 =	simm.s32 @!p2 $0x0  }
0x16: {  	s3 =	sld [smem:$0x3FDB];
	s0 =	simm.s32 @p2 $0x1  }
0x17: {  	s4 =	simm.s32 $0x1BF5;
	[smem:$0x3FB4] =	sst s0  }
0x18: {  	s0 =	sld [smem:$0x3F97];
	_ =	swait.ge [sflag:s4], $0x0  }
0x19: {  	s7 =	sld [smem:$0x3F98]  }
0x1a: {  	s8 =	sadd.s32 $0xFFFFE003, lr  }
0x1b: {  	s9 =	sadd.s32 $0xFFFFFEF7, lr;
	s5 =	simm.s32 $0xFFFFFFFF;
	p2 =	slt.u32 s8, $0xFFFFF086  }
0x1c: {  	p1 =	slt.u32 s9, $0xF7A;
	s5 =	simm.s32 @!p2 $0x0  }
0x1d: {  	s5 =	simm.s32 @p1 $0x1;
	p0 =	seq.s32 s7, s2  }
0x1e: {  	s7 =	smul.u32 @!p0 $0xF7A, s2;
	p2 =	seq.s32 @!p0 s5, $0x0  }
0x1f: {  	s9 =	smul.u32 $0xF7A, s1;
	s8 =	simm.s32 @!p0 $0x1BF5;
	p2 =	por !p2, p0  }
0x20: {  	[sflag:s8] =	ssyncset.s32 @!p0 $0xFFFFF086;
	s6 =	sadd.s32 @!p0 s3, s7;
	s7 =	simm.s32 @!p0 $0x108  }
0x21: {  	s3 =	sadd.s32 s3, s9;
	s6 =	sadd.s32 @!p0 $0x88, s6;
	s7 =	simm.s32 @p2 $0x1082  }
0x22: {  	[simem:s7], [sflag:s8] =	dma.local @!p0 [hbm:s6], $0xF7A  }
0x23: {  	s9 =	sor.u32 $0xD0000000, s2;
	s6 =	simm.s32 $0x108;
	_ =	swait.ge @!p0 [sflag:s8], $0x0  }
0x24: {  	s3 =	sadd.s32 $0x88, s3;
	s6 =	simm.s32 @!p1 $0x1082;
	[sflag:s4] =	ssyncset.s32 $0xFFFFF086  }
0x25: {  	[simem:s6], [sflag:s4] =	dma.local [hbm:s3], $0xF7A  }
0x26: {  	[smem:$0x3F98] =	sst s1;
	(tag) =	ssettag s2;
	_ =	strace s9  }
0x27: {  	s1 =	sld [smem:$0x3FA8]  }
0x28: {  	s2 =	sld [smem:$0x3FA9]  }
0x29: {  	s4 =	sld [smem:$0x3FAB]  }
0x2a: {  	p0 =	seq.s32 s5, $0x0;
	s5 =	sld [smem:$0x3FAC]  }
0x2b: {  	s6 =	sld [smem:$0x3FAD]  }
0x2c: {  	s7 =	sld [smem:$0x3FAE]  }
0x2d: {  	s3 =	simm.s32 $0x108;
	s8 =	sld [smem:$0x3FAF]  }
0x2e: {  	s3 =	simm.s32 @!p0 $0x1082;
	s9 =	sld [smem:$0x3FB0]  }
0x2f: {  	lr =	sadd.s32 s0, s3;
	s0 =	sld [smem:$0x3FA7]  }
0x30: {  	s3 =	sld [smem:$0x3FAA]  }
0x31: {  	[smem:$0x3FB3] =	sst s10  }
0x32: {  	s10 =	sld [smem:$0x3FB1];
	_ =	sdelay $0x3  }
0x33: {  	p0 =	seq.s32 s10, $0x1;
	s10 =	sld [smem:$0x3FB3];
	_ =	sdelay $0x3  }
0x34: {  	[smem:$0x3FB3] =	sst s10  }
0x35: {  	s10 =	sld [smem:$0x3FB2];
	_ =	sdelay $0x3  }
0x36: {  	p1 =	seq.s32 s10, $0x1;
	s10 =	sld [smem:$0x3FB3];
	_ =	sdelay $0x3  }
0x37: {  	[smem:$0x3FB3] =	sst s10  }
0x38: {  	s10 =	sld [smem:$0x3FB4]  }
0x39: {  	_ = 	snop;
	(pc) =	sbr.ind lr, $3  }
0x3a: {  	_ = 	snop  }
0x3b: {  	_ = 	snop  }
0x3c: {  	p2 =	seq.s32 s10, $0x1;
	s10 =	sld [smem:$0x3FB3]  }
0x3d: {  	_ =	shalt  }
0x3e: {  	_ =	shalt  }
0x3f: {  	_ =	shalt  }
0x40: {  	_ =	shalt  }
0x41: {  	_ =	shalt  }
0x42: {  	_ =	shalt  }
0x43: {  	_ =	shalt  }
0x44: {  	_ =	shalt  }
0x45: {  	_ =	shalt  }
0x46: {  	_ =	shalt  }
0x47: {  	_ =	shalt  }
0x48: {  	_ =	shalt  }
0x49: {  	_ =	shalt  }
0x4a: {  	_ =	shalt  }
0x4b: {  	_ =	shalt  }
0x4c: {  	_ =	shalt  }
0x4d: {  	_ =	shalt  }
0x4e: {  	_ =	shalt  }
0x4f: {  	_ =	shalt  }
0x50: {  	_ =	shalt  }
0x51: {  	_ =	shalt  }
0x52: {  	_ =	shalt  }
0x53: {  	_ =	shalt  }
0x54: {  	_ =	shalt  }
0x55: {  	_ =	shalt  }
0x56: {  	_ =	shalt  }
0x57: {  	_ =	shalt  }
0x58: {  	_ =	shalt  }
0x59: {  	_ =	shalt  }
0x5a: {  	_ =	shalt  }
0x5b: {  	_ =	shalt  }
0x5c: {  	_ =	shalt  }
0x5d: {  	_ =	shalt  }
0x5e: {  	_ =	shalt  }
0x5f: {  	_ =	shalt  }
0x60: {  	_ =	shalt  }
0x61: {  	_ =	shalt  }
0x62: {  	_ =	shalt  }
0x63: {  	_ =	shalt  }
0x64: {  	_ =	shalt  }
0x65: {  	_ =	shalt  }
0x66: {  	_ =	shalt  }
0x67: {  	_ =	shalt  }
0x68: {  	_ =	shalt  }
0x69: {  	_ =	shalt  }
0x6a: {  	_ =	shalt  }
0x6b: {  	_ =	shalt  }
0x6c: {  	_ =	shalt  }
0x6d: {  	_ =	shalt  }
0x6e: {  	_ =	shalt  }
0x6f: {  	_ =	shalt  }
0x70: {  	_ =	shalt  }
0x71: {  	_ =	shalt  }
0x72: {  	_ =	shalt  }
0x73: {  	_ =	shalt  }
0x74: {  	_ =	shalt  }
0x75: {  	_ =	shalt  }
0x76: {  	_ =	shalt  }
0x77: {  	_ =	shalt  }
0x78: {  	_ =	shalt  }
0x79: {  	_ =	shalt  }
0x7a: {  	_ =	shalt  }
0x7b: {  	_ =	shalt  }
0x7c: {  	_ =	shalt  }
0x7d: {  	_ =	shalt  }
0x7e: {  	_ =	shalt  }
0x7f: {  	_ =	shalt  }
0x80: {  	_ =	shalt  }
0x81: {  	_ =	shalt  }
0x82: {  	_ =	shalt  }
0x83: {  	_ =	shalt  }
0x84: {  	_ =	shalt  }
0x85: {  	_ =	shalt  }
0x86: {  	_ =	shalt  }
0x87: {  	_ =	shalt  }
.Lfunc_end0:
.L_simem_size_0:
called_computation_lowered:
.L_overlay_start_0:
0x88: {  	s2 =	sld [smem:$0x3FD9]  }
0x89: {  	s3 =	sld [smem:$0x3FFE];
	_ =	sdelay $0x1  }
0x8a: {  	s1 =	srdreg.scid  }
0x8b: {  	s0 =	sand.u32 $0x1, s1  }
0x8c: {  	s14 =	sshll.u32 s0, $0xA;
	s2 =	sadd.s32 s3, s2  }
0x8d: {  	s2 =	sadd.s32 s2, s14  }
0x8e: {  	[smem:$0x3FBF] =	sst s2  }
0x8f: {  	_ = 	snop  }
0x90: {  	s2 =	sld [smem:$0x3FD0];
	_ =	sdelay $0x2  }
0x91: {  	s4 =	simm.s32 $0xA;
	s5 =	simm.s32 $0x10;
	s15 =	sld [smem:$0x3FC9]  }
0x92: {  	[smem:s5], [sflag:s4] =	dma.local [hbm:s2], $0x1  }
0x93: {  	_ =	swait.eq [sflag:s4], $0x1  }
0x94: {  	[sflag:s4] =	ssyncset.done $0x0  }
0x95: {  	[sflag:s4] =	ssyncadd.s32 $0xFFFFFFFF  }
0x96: {  	s16 =	sld [smem:$0x10];
	(tm) =	ssettm $0x1  }
0x97: {  	s17 =	sld [smem:$0x3FFB];
	_ =	sdelay $0x3  }
0x98: {  	_ =	strace s17  }
0x99: {  	s4 =	sld [smem:$0x3FFC];
	_ =	sdelay $0x3  }
0x9a: {  	_ =	strace s4  }
0x9b: {  	s4 =	sld [smem:$0x3FFD];
	_ =	sdelay $0x3  }
0x9c: {  	_ =	strace s4  }
0x9d: {  	_ =	strace $0x8FFFFFFF  }
0x9e: {  	s18 =	sld [smem:$0x3FDB];
	_ =	sdelay $0x1  }
0x9f: {  	s19 =	simm.s32 $_scs_section_size  }
0xa0: {  	s6 =	simm.s32 $_size__tile_overlayer_lowered;
	s7 =	simm.s32 $_tile_overlayer_lowered  }
0xa1: {  	s22 =	simm.s32 $0x1BFF;
	s21 =	sshll.u32 s7, $0x1;
	s4 =	sadd.s32 s19, s18  }
0xa2: {  	s8 =	simm.s32 $0x0;
	s20 =	sshll.u32 s6, $0x1;
	s6 =	sadd.s32 s21, s4  }
0xa3: {  	[timem:s8], [sflag:s22] =	dma.local [hbm:s6], s20  }
0xa4: {  	_ =	swait.ge [sflag:s22], s20  }
0xa5: {  	s5 =	ssub.s32 $0x0, s20;
	[sflag:s22] =	ssyncset.done $0x0  }
0xa6: {  	[sflag:s22] =	ssyncadd.s32 s5;
	_ =	sdelay $0x1  }
0xa7: {  	s23 =	simm.s32 $0x1B8B  }
0xa8: {  	_ =	swait.ge [sflag:s23], $0x1  }
0xa9: {  	[sflag:s23] =	ssyncset.done $0x0  }
0xaa: {  	s25 =	simm.s32 $0x1B8E;
	s24 =	sld [smem:$0x3FFE];
	[sflag:s23] =	ssyncadd.s32 $0xFFFFFFFF  }
0xab: {  	s26 =	simm.s32 $execute0_lowered;
	[smem:$0x3FD2] =	sst s25  }
0xac: {  	s6 =	sshll.u32 s26, $0x1;
	_ =	strace $0x80000046;
	[dreg:$0x1] =	wrdreg $0xFFFFFFFF  }
0xad: {  	s28 =	simm.s32 $_size_execute0_lowered;
	s4 =	sadd.s32 s4, s6;
	[dreg:$0x0] =	wrdreg $0x0  }
0xae: {  	s6 =	sshll.u32 s28, $0x1;
	[dreg:$0x2] =	wrdreg s4  }
0xaf: {  	[dreg:$0x3] =	wrdreg s6  }
0xb0: {  	[dreg:$0x4] =	wrdreg $0xC0  }
0xb1: {  	_ =	task [dreg:s8], $0x5FFFF  }
0xb2: {  	[dreg:$0x1] =	wrdreg $0xFFFFFFFF  }
0xb3: {  	[dreg:$0x0] =	wrdreg $0x60  }
0xb4: {  	[dreg:$0x2] =	wrdreg s15  }
0xb5: {  	[dreg:$0x3] =	wrdreg s24  }
0xb6: {  	[dreg:$0x4] =	wrdreg s16  }
0xb7: {  	[dreg:$0x5] =	wrdreg $0xA8000  }
0xb8: {  	[dreg:$0x6] =	wrdreg $0x9  }
0xb9: {  	_ =	task.clear_ibuf [dreg:s8], $0x7FFFF;
	_ =	strace $0x90000046  }
0xba: {  	s29 =	simm.s32 $0x9;
	_ =	strace $0x80000048  }
0xbb: {  	_ =	swait.ge [sflag:s29], $0x1  }
0xbc: {  	[sflag:s29] =	ssyncadd.s32 $0xFFFFFFFF  }
0xbd: {  	_ =	strace $0x90000048  }
0xbe: {  	_ =	sfence  }
0xbf: {  	s30 =	sld [smem:$0x0];
	_ =	sdelay $0x2  }
0xc0: {  	s31 =	sshll.u32 s1, $0xD;
	s1 =	sshrl.u32 s1, $0x2  }
0xc1: {  	s3 =	sand.u32 $0x4000, s31;
	s1 =	sadd.s32 s1, s30  }
0xc2: {  	s0 =	sor.u32 s3, s0;
	s1 =	sshll.u32 s1, $0x11  }
0xc3: {  	s0 =	sor.u32 s1, s0  }
0xc4: {  	s0 =	sadd.s32 $0x8F2B, s0  }
0xc5: {  	[sflag:s0] =	ssyncadd.remote.s32 $0x1  }
0xc6: {  	_ =	sfence.sel $0xFFFF  }
0xc7: {  	[dreg:$0x0] =	wrdreg $0xFFFFFFFF;
	(pc) =	sbr.abs _section_cstart, $3  }
0xc8: {  	[dreg:$0x1] =	wrdreg $0xFFFFFFFF  }
0xc9: {  	_ =	task.clear_ibuf [dreg:s8], $0x2FFFF;
	_ =	strace $0x9FFFFFFF  }
0xca: {  	(tm) =	ssettm $0x7FFFFFFF  }
0xcb: {  	_ =	shalt  }
tec
execute0_lowered:
.L_overlay_start_1:
0x0: {  	(tag) =	ssettag $0x1  }
0x1: {  	s1 =	rddreg [dreg:$0x0]  }
0x2: {  	s4 =	rddreg [dreg:$0x1]  }
0x3: {  	s6 =	rddreg [dreg:$0x2]  }
0x4: {  	s2 =	rddreg [dreg:$0x3]  }
0x5: {  	s0 =	rddreg [dreg:$0x4];
	s5 =	srdreg.scid  }
0x6: {  	s3 =	simm.s32 $0x0;
	s12 =	stileid.u32;
	s17 =	simm.s32 $0x8000  }
0x7: {  	s18 =	simm.s32 $0x1;
	s19 =	simm.s32 $0x0;
	s5 =	sand.u32 $0x1, s5  }
0x8: {  	[smem:$0x7FF] =	sst s3;
	s8 =	sshll.u32 s12, $0xB;
	s23 =	smul.u32 $0x4E000, s12  }
0x9: {  	s10 =	smul.u32 $0x13800, s12;
	s11 =	sadd.s32 $0x23A00, s4;
	s28 =	sshll.u32 s12, $0x6  }
0xa: {  	s15 =	sadd.s32 $0x138000, s2;
	p0 =	sne.s32 s12, $0x0;
	s7 =	sshll.u32 s5, $0xF  }
0xb: {  	_ =	strace $0x80000047;
	s24 =	ssub.s32 $0x2, s5;
	s29 =	smul.u32 $0x138800, s5  }
0xc: {  	s5 =	sor.u32 $0x1C02, s28;
	s7 =	sor.u32 s8, s7;
	s25 =	sshrl.u32 s24, $0x1  }
0xd: {  	s8 =	sshrl.u32 s23, $0x2;
	s26 =	sshrl.u32 s10, $0x3;
	s9 =	sadd.s32 s7, s4  }
0xe: {  	s13 =	ssub.s32 s24, s25;
	s14 =	sadd.s32 s8, s2;
	s4 =	sadd.s32 s6, s26  }
0xf: {  	s6 =	sadd.s32 $0x27000, s6;
	s10 =	sadd.s32 s10, s29;
	s16 =	sshrl.u32 s29, $0x3  }
0x10: {  	s7 =	sadd.s32 $0x3A00, s9;
	s8 =	sadd.s32 $0x13A00, s9;
	s30 =	sshrl.u32 s10, $0x3  }
0x11: {  	s31 =	sadd.s32 s11, s16;
	s12 =	sshrl.u32 s14, $0x3;
	s14 =	sshrl.u32 @!p0 s15, $0x3  }
0x12: {  	s15 =	simm.s32 $0x4000;
	s16 =	simm.s32 $0x50;
	s9 =	sadd.s32 s11, s30  }
0x13: {  	s10 =	sadd.s32 $0x27000, s31;
	s11 =	smax.u32 s13, $0x1;
	s13 =	simm.s32 $0x2  }
.LBB2_1:
0x14: {  	[spmem:s12], [sflag:s5] =	dma.local [hbm:s4], $0x2700  }
0x15: {  	_ =	swait.ge [sflag:s13], $0x2700  }
0x16: {  	[sflag:s13] =	ssyncset.done $0x0  }
0x17: {  	s20 =	simm.s32 @!p0 $0x2;
	[sflag:s13] =	ssyncadd.s32 $0xFFFFD900  }
0x18: {  	[spmem:s14], [sflag:s5] =	dma.local @!p0 [hbm:s6], $0x100  }
0x19: {  	_ =	swait.ge @!p0 [sflag:s20], $0x100  }
0x1a: {  	[sflag:s20] =	ssyncset.done @!p0 $0x0  }
0x1b: {  	[sflag:s20] =	ssyncadd.s32 @!p0 $0xFFFFFF00  }
0x1c: {  	[bflag:$0x0] =	sbarrier.arrive $0xFFFF  }
0x1d: {  	[tilespmem:s3], [sflag:$0x2] =	stream.linear.gather [hbm4b:s7+s3], $0x3E80, $0x38;
	[tilespmem:$0x1E080] =	vst v63  }
0x1e: {  	_ =	swait.ge [sflag:s13], $0x3E80  }
0x1f: {  	[sflag:s13] =	ssyncset.done $0x0  }
0x20: {  	[sflag:s13] =	ssyncadd.s32 $0xFFFFC180  }
0x21: {  	[tilespmem:s15], [sflag:$0x2] =	stream.linear.gather [hbm4b:s8+s3], $0x3E80, $0x38;
	[tilespmem:$0x1E080] =	vst v63  }
0x22: {  	_ =	swait.ge [sflag:s13], $0x3E80  }
0x23: {  	[sflag:s13] =	ssyncset.done $0x0  }
0x24: {  	s30 =	simm.s32 $0x0;
	[sflag:s13] =	ssyncadd.s32 $0xFFFFC180  }
0x25: {  	[tilespmem:s17], [sflag:$0x1] =	stream.indirect.gather [hbm4b:s1+s16], $0x80, s30, s16, $0xb8;
	[tilespmem:$0x1E080] =	vst v63  }
0x26: {  	_ =	swait.ge [sflag:s18], $0x2800  }
0x27: {  	[sflag:s18] =	ssyncset.done $0x0  }
0x28: {  	s31 =	simm.s32 $0x4000;
	[sflag:s18] =	ssyncadd.s32 $0xFFFFD800  }
0x29: {  	[spmem:s2] =	stream.indirect.scatter.add.f32 [tilespmem:s17], [sflag:$0x2], $0x80, s31, s16, $0xb8;
	[tilespmem:$0x1E080] =	vst v63  }
0x2a: {  	_ =	swait.ge [sflag:s13], $0x2800  }
0x2b: {  	s21 =	simm.s32 $0x400;
	s20 =	simm.s32 $0x200;
	[sflag:s13] =	ssyncset.done $0x0  }
.LBB2_2:
0x2c: {  	s22 =	sshra.s32 s20, $0x2  }
0x2d: {  	[sflag:s13] =	ssyncadd.s32 $0xFFFFD800;
	s20 =	smov.u32 s21;
	s23 =	sadd.s32 $0x200, s21  }
0x2e: {  	[tilespmem:s17], [sflag:$0x1] =	stream.indirect.gather [hbm4b:s1+s16], $0x80, s22, s16, $0xb8;
	[tilespmem:$0x1E080] =	vst v63  }
0x2f: {  	p1 =	sne.s32 s21, $0xF800;
	_ =	swait.ge [sflag:s18], $0x2800  }
.Ltmp0:
0x30: {  	[sflag:s18] =	ssyncset.done $0x0;
	(pc) =	sbr.rel @p1 .LBB2_2-.Ltmp0, $4  }
0x31: {  	s21 =	sadd.s32 $0x4000, s22;
	[sflag:s18] =	ssyncadd.s32 $0xFFFFD800  }
0x32: {  	[spmem:s2] =	stream.indirect.scatter.add.f32 [tilespmem:s17], [sflag:$0x2], $0x80, s21, s16, $0xb8;
	[tilespmem:$0x1E080] =	vst v63  }
0x33: {  	_ =	swait.ge [sflag:s13], $0x2800  }
0x34: {  	s21 =	smov.u32 s23;
	[sflag:s13] =	ssyncset.done $0x0  }
0x35: {  	s20 =	sshra.s32 s20, $0x2;
	[sflag:s13] =	ssyncadd.s32 $0xFFFFD800  }
0x36: {  	[tilespmem:s17], [sflag:$0x1] =	stream.indirect.gather [hbm4b:s1+s16], $0x80, s20, s16, $0xb8;
	[tilespmem:$0x1E080] =	vst v63  }
0x37: {  	_ =	swait.ge [sflag:s18], $0x2800  }
0x38: {  	[sflag:s18] =	ssyncset.done $0x0  }
0x39: {  	s20 =	sadd.s32 $0x4000, s20;
	[sflag:s18] =	ssyncadd.s32 $0xFFFFD800  }
0x3a: {  	[spmem:s2] =	stream.indirect.scatter.add.f32 [tilespmem:s17], [sflag:$0x2], $0x80, s20, s16, $0xb8;
	[tilespmem:$0x1E080] =	vst v63  }
0x3b: {  	_ =	swait.ge [sflag:s13], $0x2800  }
0x3c: {  	[sflag:s13] =	ssyncset.done $0x0  }
0x3d: {  	[sflag:s13] =	ssyncadd.s32 $0xFFFFD800  }
0x3e: {  	[bflag:$0x0] =	sbarrier.arrive $0xFFFF  }
0x3f: {  	[hbm:s9], [sflag:s5] =	dma.local [spmem:s12], $0x2700  }
0x40: {  	s19 =	sadd.s32 $0x1, s19;
	_ =	swait.ge [sflag:s13], $0x2700  }
0x41: {  	p1 =	sne.s32 s19, s11;
	[sflag:s13] =	ssyncset.done $0x0  }
.Ltmp1:
0x42: {  	s20 =	simm.s32 @!p0 $0x2;
	[sflag:s13] =	ssyncadd.s32 $0xFFFFD900;
	(pc) =	sbr.rel @p1 .LBB2_1-.Ltmp1, $4  }
0x43: {  	[hbm:s10], [sflag:s5] =	dma.local @!p0 [spmem:s14], $0x100  }
0x44: {  	_ =	swait.ge @!p0 [sflag:s20], $0x100  }
0x45: {  	[sflag:s20] =	ssyncset.done @!p0 $0x0  }
0x46: {  	[sflag:s20] =	ssyncadd.s32 @!p0 $0xFFFFFF00  }
0x47: {  	_ =	sfence.sel $0x180000  }
0x48: {  	[bflag:$0x0] =	sbarrier.arrive $0xFFFF  }
0x49: {  	_ =	strace $0x90000047  }
0x4a: {  	s0 =	sadd.s32 @!p0 $0x100000, s0;
	[bflag:$0x2] =	sbarrier.arrive $0xFFFF  }
0x4b: {  	[sflag:s0] =	ssyncadd.tile.s32 @!p0 $0x1;
	_ =	shalt  }
.Lfunc_end2:
_tile_overlayer_lowered:
.L_overlay_start_2:
0x4c: {  	(tag) =	ssettag $0x2  }
0x4d: {  	s0 =	rddreg [dreg:$0x0];
	s2 =	stileid.u32  }
0x4e: {  	s1 =	rddreg [dreg:$0x1];
	p0 =	sne.s32 s2, $0x0  }
0x4f: {  	s3 =	rddreg [dreg:$0x2];
	[bflag:$0x3] =	sbarrier.arrive $0xFFFF;
	s2 =	simm.s32 @!p0 $0x1C02  }
0x50: {  	[timem:s3], [sflag:s2] =	dma.local @!p0 [hbm:s0], s1  }
0x51: {  	s0 =	simm.s32 @!p0 $0x2  }
0x52: {  	_ =	swait.ge @!p0 [sflag:s0], s1  }
0x53: {  	s1 =	ssub.s32 @!p0 $0x0, s1;
	[sflag:s0] =	ssyncset.done @!p0 $0x0  }
0x54: {  	[sflag:s0] =	ssyncadd.s32 @!p0 s1  }
0x55: {  	[bflag:$0x3] =	sbarrier.arrive $0xFFFF  }
0x56: {  	_ =	shalt  }

</sc_bundles>
